<compile_context>
chip_gen: v7x
topology: tpu7x:2x2x1
jax: 0.10.2.dev20260603
libtpu: 0.0.44.dev20260713+nightly
codegen_flags: <defaults>
</compile_context>

<pallas_src>
import functools

import jax
import jax.numpy as jnp
from jax import lax
from jax.experimental import pallas as pl
from jax.experimental.pallas import tpu as pltpu
from jax.experimental.pallas import tpu_sc as plsc

N, D, E, H = 10000, 128, 320000, 8
NC, NS, L = 2, 16, 16
NW = NC * NS
EPW = E // NW
NB = EPW // L
NR = N // 16

_HI_MASK = -65536


def _rne_bits(f):
    b = lax.bitcast_convert_type(f, jnp.int32)
    return b + 0x7FFF + jnp.bitwise_and(lax.shift_right_logical(b, 16), 1)


def _table_kernel(x_ref, wl_ref, wh_ref, bl_ref, bh_ref, out_ref):
    xv = x_ref[...]
    lo = jnp.dot(xv, wl_ref[...], preferred_element_type=jnp.float32) + bl_ref[...]
    hi = jnp.dot(xv, wh_ref[...], preferred_element_type=jnp.float32) + bh_ref[...]
    rl = _rne_bits(lo)
    rh = _rne_bits(hi)
    out_ref[...] = jnp.bitwise_or(
        jnp.bitwise_and(rh, _HI_MASK),
        jnp.bitwise_and(lax.shift_right_logical(rl, 16), 0xFFFF))


def _edge_body(tab_hbm, ei_hbm, par_hbm, out_hbm,
               tab_v, col_v, row_v, par_v, out_v, tab_sh,
               sem1, sem2, sem3, sem4):
    sid = lax.axis_index("s")
    wid = sid * NC + lax.axis_index("c")
    base = wid * EPW
    c1 = pltpu.async_copy(ei_hbm.at[1, pl.ds(base, EPW)], col_v, sem1)
    c2 = pltpu.async_copy(ei_hbm.at[0, pl.ds(base, EPW)], row_v, sem2)
    c3 = pltpu.async_copy(par_hbm, par_v, sem3)

    @pl.when(sid == 0)
    def _stage_table():
        pltpu.sync_copy(tab_hbm, tab_sh)

    plsc.subcore_barrier()
    c4 = pltpu.async_copy(tab_sh, tab_v, sem4)
    c1.wait()
    c2.wait()
    c3.wait()
    c4.wait()

    w2p = [plsc.bitcast(par_v[k, :], jnp.bfloat16) for k in range(4)]
    jva = [jnp.full((L,), j, jnp.int32) for j in range(4)]
    jvb = [jnp.full((L,), 4 + j, jnp.int32) for j in range(4)]
    acc0 = plsc.bitcast(par_v[4, :], jnp.float32)
    one = jnp.bfloat16(1.0)

    @plsc.parallel_loop(0, EPW, step=L, unroll=4)
    def _loop(i):
        vc = col_v[pl.ds(i, L)]
        vr = row_v[pl.ds(i, L)]
        acc = jnp.zeros((2 * L,), jnp.bfloat16)
        for j in range(4):
            wa = plsc.load_gather(tab_v, [vc, jva[j]])
            wb = plsc.load_gather(tab_v, [vr, jvb[j]])
            s = plsc.bitcast(wa, jnp.bfloat16) + plsc.bitcast(wb, jnp.bfloat16)
            r = one / (jnp.exp(s) + one)
            acc = acc + r * w2p[j]
        aw = plsc.bitcast(acc, jnp.int32)
        a_even = plsc.bitcast(jnp.left_shift(aw, 16), jnp.float32)
        a_odd = plsc.bitcast(jnp.bitwise_and(aw, _HI_MASK), jnp.float32)
        acc16 = acc0 + a_even + a_odd
        out_v[pl.ds(i, L)] = 1.0 / (1.0 + jnp.exp(acc16))
    pltpu.sync_copy(out_v, out_hbm.at[pl.ds(base, EPW)])


@functools.partial(
    pl.kernel,
    out_type=jax.ShapeDtypeStruct((E,), jnp.float32),
    mesh=plsc.VectorSubcoreMesh(core_axis_name="c", subcore_axis_name="s",
                                num_cores=NC, num_subcores=NS),
    scratch_types=[
        pltpu.VMEM((N, H), jnp.int32),
        pltpu.VMEM((EPW,), jnp.int32),
        pltpu.VMEM((EPW,), jnp.int32),
        pltpu.VMEM((5, L), jnp.int32),
        pltpu.VMEM((EPW,), jnp.float32),
        pltpu.VMEM_SHARED((N, H), jnp.int32),
        pltpu.SemaphoreType.DMA,
        pltpu.SemaphoreType.DMA,
        pltpu.SemaphoreType.DMA,
        pltpu.SemaphoreType.DMA,
    ],
    compiler_params=pltpu.CompilerParams(needs_layout_passes=False, use_tc_tiling_on_sc=False),
)
def _edge_mlp(tab_hbm, ei_hbm, par_hbm, out_hbm,
              tab_v, col_v, row_v, par_v, out_v, tab_sh,
              sem1, sem2, sem3, sem4):
    _edge_body(tab_hbm, ei_hbm, par_hbm, out_hbm,
               tab_v, col_v, row_v, par_v, out_v, tab_sh,
               sem1, sem2, sem3, sem4)


_C2 = 2.0
_NL2E = -1.0


def kernel(x, edge_index, W1, b1, W2, b2):
    WL = _C2 * jnp.concatenate([W1[:D, 0:4], W1[D:, 0:4]], axis=1)
    WH = _C2 * jnp.concatenate([W1[:D, 4:8], W1[D:, 4:8]], axis=1)
    z4 = jnp.zeros((4,), jnp.float32)
    bL = (_C2 * jnp.concatenate([b1[0:4], z4])).reshape(1, H)
    bH = (_C2 * jnp.concatenate([b1[4:8], z4])).reshape(1, H)

    Tp = pl.pallas_call(
        _table_kernel,
        out_shape=jax.ShapeDtypeStruct((N, H), jnp.int32),
    )(x, WL, WH, bL, bH)

    acc0 = _NL2E * (jnp.sum(W2) + b2[0])
    w2pair = jnp.stack([_C2 * W2[0:4, 0], _C2 * W2[4:8, 0]], axis=1)
    w2words = lax.bitcast_convert_type(w2pair.astype(jnp.bfloat16),
                                       jnp.int32)
    a0word = lax.bitcast_convert_type(acc0, jnp.int32).reshape(1)
    par = jnp.broadcast_to(
        jnp.concatenate([w2words, a0word]).reshape(5, 1), (5, L))

    out = _edge_mlp(Tp, edge_index, par)
    return out.reshape(E, 1)

# --- scband reference (transcript-rebuilt; emitter-appended) ---
"""Pipeline reference for scband-edge-network-g-67937792688142 (READ-ONLY COPY).

The authoritative reference and input builder live on the scoring server;
editing this copy changes nothing except your own understanding.
"""

import jax, jax.numpy as jnp
import numpy as np

N, D, E, H = 10000, 128, 320000, 8

def setup_inputs(seed: int = 0) -> dict:
    key = jax.random.key(seed)
    k1, k2, k3, k4, k5, k6 = jax.random.split(key, 6)
    x = jax.random.normal(k1, (N, D), dtype=jnp.float32)
    edge_index = jax.random.randint(k2, (2, E), 0, N, dtype=jnp.int32)
    # edgec = Linear(2*D -> H), Tanh, Linear(H -> 1), Sigmoid
    lim1 = 1.0 / np.sqrt(2 * D)
    W1 = jax.random.uniform(k3, (2 * D, H), dtype=jnp.float32, minval=-lim1, maxval=lim1)
    b1 = jax.random.uniform(k4, (H,), dtype=jnp.float32, minval=-lim1, maxval=lim1)
    lim2 = 1.0 / np.sqrt(H)
    W2 = jax.random.uniform(k5, (H, 1), dtype=jnp.float32, minval=-lim2, maxval=lim2)
    b2 = jax.random.uniform(k6, (1,), dtype=jnp.float32, minval=-lim2, maxval=lim2)
    return {"x": x, "edge_index": edge_index, "W1": W1, "b1": b1, "W2": W2, "b2": b2}

def reference(x, edge_index, W1, b1, W2, b2):
    # row, col = data.edge_index.detach()
    row = edge_index[0]
    col = edge_index[1]
    # bi = data.x[col]; bo = data.x[row]; B = cat([bi, bo], -1).detach()
    bi = jnp.take(x, col, axis=0)
    bo = jnp.take(x, row, axis=0)
    B = jax.lax.stop_gradient(jnp.concatenate([bi, bo], axis=-1))
    # edgec(B): Linear -> Tanh -> Linear -> Sigmoid
    h = jnp.tanh(B @ W1 + b1)
    out = jax.nn.sigmoid(h @ W2 + b2)
    return out

if __name__ == "__main__":
    import jax
    _d = setup_inputs()
    print(jax.jit(kernel)(*tuple(_d.values())))

</pallas_src>

<mosaic_0001>
#map = affine_map<(d0, d1) -> (0, 0)>
#map1 = affine_map<(d0, d1) -> (0)>
module attributes {stable_mosaic.version = 14 : i64} {
  func.func @_edge_mlp(%arg0: i32, %arg1: i32, %arg2: memref<10000x8xi32, #tpu.memory_space<hbm>>, %arg3: memref<2x320000xi32, #tpu.memory_space<hbm>>, %arg4: memref<5x16xi32, #tpu.memory_space<hbm>>, %arg5: memref<320000xf32, #tpu.memory_space<hbm>>, %arg6: memref<10000x8xi32, #tpu.memory_space<vmem>>, %arg7: memref<10000xi32, #tpu.memory_space<vmem>>, %arg8: memref<10000xi32, #tpu.memory_space<vmem>>, %arg9: memref<5x16xi32, #tpu.memory_space<vmem>>, %arg10: memref<10000xf32, #tpu.memory_space<vmem>>, %arg11: memref<10000x8xi32, #tpu.memory_space<vmem_shared>>, %arg12: memref<!tpu.dma_semaphore, #tpu.memory_space<semaphore_mem>>, %arg13: memref<!tpu.dma_semaphore, #tpu.memory_space<semaphore_mem>>, %arg14: memref<!tpu.dma_semaphore, #tpu.memory_space<semaphore_mem>>, %arg15: memref<!tpu.dma_semaphore, #tpu.memory_space<semaphore_mem>>) attributes {dimension_semantics = [#tpu.dimension_semantics<core_parallel>, #tpu.dimension_semantics<subcore_parallel>], iteration_bounds = array<i64: 2, 16>, scalar_prefetch = 0 : i64, scratch_operands = 10 : i64, tpu.core_type = #tpu.core_type<sc_vector_subcore>, window_params = [{transform_indices = #map}, {transform_indices = #map}, {transform_indices = #map}, {transform_indices = #map1}]} {
    %mul3A = arith.constant 2 : i32
    %mul3A_0 = arith.muli %arg1, %mul3A : i32
    %add3A = arith.addi %mul3A_0, %arg0 : i32
    %mul3A_1 = arith.constant 10000 : i32
    %mul3A_2 = arith.muli %add3A, %mul3A_1 : i32
    %dma_start3A = arith.constant 1 : i32
    %dma_start3A_3 = tpu.memref_slice %arg3[%dma_start3A, %mul3A_2] : memref<2x320000xi32, #tpu.memory_space<hbm>> -> memref<1x10000xi32, #tpu.memory_space<hbm>>
    %dma_start3A_4 = tpu.memref_squeeze %dma_start3A_3 : memref<1x10000xi32, #tpu.memory_space<hbm>> -> memref<10000xi32, #tpu.memory_space<hbm>>
    %dma_start3A_5 = tpu.memref_slice %arg3[%dma_start3A, %mul3A_2] : memref<2x320000xi32, #tpu.memory_space<hbm>> -> memref<1x10000xi32, #tpu.memory_space<hbm>>
    %dma_start3A_6 = tpu.memref_squeeze %dma_start3A_5 : memref<1x10000xi32, #tpu.memory_space<hbm>> -> memref<10000xi32, #tpu.memory_space<hbm>>
    tpu.enqueue_dma source(%dma_start3A_6 : memref<10000xi32, #tpu.memory_space<hbm>>) target(%arg7 : memref<10000xi32, #tpu.memory_space<vmem>>) target_semaphore(%arg12 : memref<!tpu.dma_semaphore, #tpu.memory_space<semaphore_mem>>)
    %dma_start3A_7 = arith.constant 0 : i32
    %dma_start3A_8 = tpu.memref_slice %arg3[%dma_start3A_7, %mul3A_2] : memref<2x320000xi32, #tpu.memory_space<hbm>> -> memref<1x10000xi32, #tpu.memory_space<hbm>>
    %dma_start3A_9 = tpu.memref_squeeze %dma_start3A_8 : memref<1x10000xi32, #tpu.memory_space<hbm>> -> memref<10000xi32, #tpu.memory_space<hbm>>
    %dma_start3A_10 = tpu.memref_slice %arg3[%dma_start3A_7, %mul3A_2] : memref<2x320000xi32, #tpu.memory_space<hbm>> -> memref<1x10000xi32, #tpu.memory_space<hbm>>
    %dma_start3A_11 = tpu.memref_squeeze %dma_start3A_10 : memref<1x10000xi32, #tpu.memory_space<hbm>> -> memref<10000xi32, #tpu.memory_space<hbm>>
    tpu.enqueue_dma source(%dma_start3A_11 : memref<10000xi32, #tpu.memory_space<hbm>>) target(%arg8 : memref<10000xi32, #tpu.memory_space<vmem>>) target_semaphore(%arg13 : memref<!tpu.dma_semaphore, #tpu.memory_space<semaphore_mem>>)
    tpu.enqueue_dma source(%arg4 : memref<5x16xi32, #tpu.memory_space<hbm>>) target(%arg9 : memref<5x16xi32, #tpu.memory_space<vmem>>) target_semaphore(%arg14 : memref<!tpu.dma_semaphore, #tpu.memory_space<semaphore_mem>>)
    %eq3A = arith.constant 0 : i32
    %eq3A_12 = arith.cmpi eq, %arg1, %eq3A : i32
    %convert_element_type3A = arith.extui %eq3A_12 : i1 to i32
    %cond3A = arith.constant 0 : i32
    %cond3A_13 = arith.cmpi ne, %convert_element_type3A, %cond3A : i32
    scf.if %cond3A_13 {
      "tpu.region"() ({
        %run_scoped3A = tpu.sem_alloc : memref<!tpu.dma_semaphore, #tpu.memory_space<semaphore_mem>>
        tpu.enqueue_dma source(%arg2 : memref<10000x8xi32, #tpu.memory_space<hbm>>) target(%arg11 : memref<10000x8xi32, #tpu.memory_space<vmem_shared>>) target_semaphore(%run_scoped3A : memref<!tpu.dma_semaphore, #tpu.memory_space<semaphore_mem>>)
        tpu.wait_dma2 semaphore(%run_scoped3A : memref<!tpu.dma_semaphore, #tpu.memory_space<semaphore_mem>>) src(%arg2 : memref<10000x8xi32, #tpu.memory_space<hbm>>) dst(%arg11 : memref<10000x8xi32, #tpu.memory_space<vmem_shared>>)
        tpu.yield
      }) : () -> ()
    } else {
    }
    %barrier3A = arith.constant 0 : index
    tpu.barrier barrier_id(%barrier3A)
    tpu.enqueue_dma source(%arg11 : memref<10000x8xi32, #tpu.memory_space<vmem_shared>>) target(%arg6 : memref<10000x8xi32, #tpu.memory_space<vmem>>) target_semaphore(%arg15 : memref<!tpu.dma_semaphore, #tpu.memory_space<semaphore_mem>>)
    %dma_wait3A = arith.constant 1 : i32
    %dma_wait3A_14 = tpu.memref_slice %arg3[%dma_wait3A, %mul3A_2] : memref<2x320000xi32, #tpu.memory_space<hbm>> -> memref<1x10000xi32, #tpu.memory_space<hbm>>
    %dma_wait3A_15 = tpu.memref_squeeze %dma_wait3A_14 : memref<1x10000xi32, #tpu.memory_space<hbm>> -> memref<10000xi32, #tpu.memory_space<hbm>>
    %dma_wait3A_16 = tpu.memref_slice %arg3[%dma_wait3A, %mul3A_2] : memref<2x320000xi32, #tpu.memory_space<hbm>> -> memref<1x10000xi32, #tpu.memory_space<hbm>>
    %dma_wait3A_17 = tpu.memref_squeeze %dma_wait3A_16 : memref<1x10000xi32, #tpu.memory_space<hbm>> -> memref<10000xi32, #tpu.memory_space<hbm>>
    tpu.wait_dma2 semaphore(%arg12 : memref<!tpu.dma_semaphore, #tpu.memory_space<semaphore_mem>>) src(%dma_wait3A_17 : memref<10000xi32, #tpu.memory_space<hbm>>) dst(%arg7 : memref<10000xi32, #tpu.memory_space<vmem>>)
    %dma_wait3A_18 = arith.constant 0 : i32
    %dma_wait3A_19 = tpu.memref_slice %arg3[%dma_wait3A_18, %mul3A_2] : memref<2x320000xi32, #tpu.memory_space<hbm>> -> memref<1x10000xi32, #tpu.memory_space<hbm>>
    %dma_wait3A_20 = tpu.memref_squeeze %dma_wait3A_19 : memref<1x10000xi32, #tpu.memory_space<hbm>> -> memref<10000xi32, #tpu.memory_space<hbm>>
    %dma_wait3A_21 = tpu.memref_slice %arg3[%dma_wait3A_18, %mul3A_2] : memref<2x320000xi32, #tpu.memory_space<hbm>> -> memref<1x10000xi32, #tpu.memory_space<hbm>>
    %dma_wait3A_22 = tpu.memref_squeeze %dma_wait3A_21 : memref<1x10000xi32, #tpu.memory_space<hbm>> -> memref<10000xi32, #tpu.memory_space<hbm>>
    tpu.wait_dma2 semaphore(%arg13 : memref<!tpu.dma_semaphore, #tpu.memory_space<semaphore_mem>>) src(%dma_wait3A_22 : memref<10000xi32, #tpu.memory_space<hbm>>) dst(%arg8 : memref<10000xi32, #tpu.memory_space<vmem>>)
    tpu.wait_dma2 semaphore(%arg14 : memref<!tpu.dma_semaphore, #tpu.memory_space<semaphore_mem>>) src(%arg4 : memref<5x16xi32, #tpu.memory_space<hbm>>) dst(%arg9 : memref<5x16xi32, #tpu.memory_space<vmem>>)
    tpu.wait_dma2 semaphore(%arg15 : memref<!tpu.dma_semaphore, #tpu.memory_space<semaphore_mem>>) src(%arg11 : memref<10000x8xi32, #tpu.memory_space<vmem_shared>>) dst(%arg6 : memref<10000x8xi32, #tpu.memory_space<vmem>>)
    %get3A = arith.constant 0 : i32
    %get3A_23 = arith.index_cast %get3A : i32 to index
    %get3A_24 = arith.constant 0 : index
    %get3A_25 = tpu.vector_load %arg9[%get3A_23, %get3A_24] {strides = array<i32>} : memref<5x16xi32, #tpu.memory_space<vmem>>, vector<16xi32>,
    %bitcast3A = vector.bitcast %get3A_25 : vector<16xi32> to vector<32xbf16>
    %get3A_26 = arith.constant 1 : i32
    %get3A_27 = arith.index_cast %get3A_26 : i32 to index
    %get3A_28 = arith.constant 0 : index
    %get3A_29 = tpu.vector_load %arg9[%get3A_27, %get3A_28] {strides = array<i32>} : memref<5x16xi32, #tpu.memory_space<vmem>>, vector<16xi32>,
    %bitcast3A_30 = vector.bitcast %get3A_29 : vector<16xi32> to vector<32xbf16>
    %get3A_31 = arith.constant 2 : i32
    %get3A_32 = arith.index_cast %get3A_31 : i32 to index
    %get3A_33 = arith.constant 0 : index
    %get3A_34 = tpu.vector_load %arg9[%get3A_32, %get3A_33] {strides = array<i32>} : memref<5x16xi32, #tpu.memory_space<vmem>>, vector<16xi32>,
    %bitcast3A_35 = vector.bitcast %get3A_34 : vector<16xi32> to vector<32xbf16>
    %get3A_36 = arith.constant 3 : i32
    %get3A_37 = arith.index_cast %get3A_36 : i32 to index
    %get3A_38 = arith.constant 0 : index
    %get3A_39 = tpu.vector_load %arg9[%get3A_37, %get3A_38] {strides = array<i32>} : memref<5x16xi32, #tpu.memory_space<vmem>>, vector<16xi32>,
    %bitcast3A_40 = vector.bitcast %get3A_39 : vector<16xi32> to vector<32xbf16>
    %broadcast_in_dim3A = arith.constant 0 : i32
    %broadcast_in_dim3A_41 = vector.broadcast %broadcast_in_dim3A : i32 to vector<16xi32>
    %broadcast_in_dim3A_42 = arith.constant 1 : i32
    %broadcast_in_dim3A_43 = vector.broadcast %broadcast_in_dim3A_42 : i32 to vector<16xi32>
    %broadcast_in_dim3A_44 = arith.constant 2 : i32
    %broadcast_in_dim3A_45 = vector.broadcast %broadcast_in_dim3A_44 : i32 to vector<16xi32>
    %broadcast_in_dim3A_46 = arith.constant 3 : i32
    %broadcast_in_dim3A_47 = vector.broadcast %broadcast_in_dim3A_46 : i32 to vector<16xi32>
    %broadcast_in_dim3A_48 = arith.constant 4 : i32
    %broadcast_in_dim3A_49 = vector.broadcast %broadcast_in_dim3A_48 : i32 to vector<16xi32>
    %broadcast_in_dim3A_50 = arith.constant 5 : i32
    %broadcast_in_dim3A_51 = vector.broadcast %broadcast_in_dim3A_50 : i32 to vector<16xi32>
    %broadcast_in_dim3A_52 = arith.constant 6 : i32
    %broadcast_in_dim3A_53 = vector.broadcast %broadcast_in_dim3A_52 : i32 to vector<16xi32>
    %broadcast_in_dim3A_54 = arith.constant 7 : i32
    %broadcast_in_dim3A_55 = vector.broadcast %broadcast_in_dim3A_54 : i32 to vector<16xi32>
    %get3A_56 = arith.constant 4 : i32
    %get3A_57 = arith.index_cast %get3A_56 : i32 to index
    %get3A_58 = arith.constant 0 : index
    %get3A_59 = tpu.vector_load %arg9[%get3A_57, %get3A_58] {strides = array<i32>} : memref<5x16xi32, #tpu.memory_space<vmem>>, vector<16xi32>,
    %bitcast3A_60 = vector.bitcast %get3A_59 : vector<16xi32> to vector<16xf32>
    %parallel_loop3A = arith.constant 0 : i32
    %parallel_loop3A_61 = arith.constant 10000 : i32
    %parallel_loop3A_62 = arith.constant 16 : i32
    %parallel_loop3A_63 = arith.constant 1.000000e+00 : bf16
    scf.for %parallel_loop3A_64 = %parallel_loop3A to %parallel_loop3A_61 step %parallel_loop3A_62  : i32 {
      %parallel_loop3A_65 = arith.index_cast %parallel_loop3A_64 : i32 to index
      %parallel_loop3A_66 = tpu.vector_load %arg7[%parallel_loop3A_65] {strides = array<i32>} : memref<10000xi32, #tpu.memory_space<vmem>>, vector<16xi32>,
      %parallel_loop3A_67 = arith.index_cast %parallel_loop3A_64 : i32 to index
      %parallel_loop3A_68 = tpu.vector_load %arg8[%parallel_loop3A_67] {strides = array<i32>} : memref<10000xi32, #tpu.memory_space<vmem>>, vector<16xi32>,
      %parallel_loop3A_69 = arith.constant 0.000000e+00 : bf16
      %parallel_loop3A_70 = vector.broadcast %parallel_loop3A_69 : bf16 to vector<32xbf16>
      %parallel_loop3A_71 = tpu.vector_load_idx %arg6[%parallel_loop3A_66, %broadcast_in_dim3A_41] : memref<10000x8xi32, #tpu.memory_space<vmem>>[vector<16xi32>, vector<16xi32>], vector<16xi32>,
      %parallel_loop3A_72 = tpu.vector_load_idx %arg6[%parallel_loop3A_68, %broadcast_in_dim3A_49] : memref<10000x8xi32, #tpu.memory_space<vmem>>[vector<16xi32>, vector<16xi32>], vector<16xi32>,
      %parallel_loop3A_73 = vector.bitcast %parallel_loop3A_71 : vector<16xi32> to vector<32xbf16>
      %parallel_loop3A_74 = vector.bitcast %parallel_loop3A_72 : vector<16xi32> to vector<32xbf16>
      %parallel_loop3A_75 = arith.addf %parallel_loop3A_73, %parallel_loop3A_74 : vector<32xbf16>
      %parallel_loop3A_76 = math.exp %parallel_loop3A_75 : vector<32xbf16>
      %parallel_loop3A_77 = vector.broadcast %parallel_loop3A_63 : bf16 to vector<32xbf16>
      %parallel_loop3A_78 = arith.addf %parallel_loop3A_76, %parallel_loop3A_77 : vector<32xbf16>
      %parallel_loop3A_79 = vector.broadcast %parallel_loop3A_63 : bf16 to vector<32xbf16>
      %parallel_loop3A_80 = arith.divf %parallel_loop3A_79, %parallel_loop3A_78 : vector<32xbf16>
      %parallel_loop3A_81 = arith.mulf %parallel_loop3A_80, %bitcast3A : vector<32xbf16>
      %parallel_loop3A_82 = arith.addf %parallel_loop3A_70, %parallel_loop3A_81 : vector<32xbf16>
      %parallel_loop3A_83 = tpu.vector_load_idx %arg6[%parallel_loop3A_66, %broadcast_in_dim3A_43] : memref<10000x8xi32, #tpu.memory_space<vmem>>[vector<16xi32>, vector<16xi32>], vector<16xi32>,
      %parallel_loop3A_84 = tpu.vector_load_idx %arg6[%parallel_loop3A_68, %broadcast_in_dim3A_51] : memref<10000x8xi32, #tpu.memory_space<vmem>>[vector<16xi32>, vector<16xi32>], vector<16xi32>,
      %parallel_loop3A_85 = vector.bitcast %parallel_loop3A_83 : vector<16xi32> to vector<32xbf16>
      %parallel_loop3A_86 = vector.bitcast %parallel_loop3A_84 : vector<16xi32> to vector<32xbf16>
      %parallel_loop3A_87 = arith.addf %parallel_loop3A_85, %parallel_loop3A_86 : vector<32xbf16>
      %parallel_loop3A_88 = math.exp %parallel_loop3A_87 : vector<32xbf16>
      %parallel_loop3A_89 = vector.broadcast %parallel_loop3A_63 : bf16 to vector<32xbf16>
      %parallel_loop3A_90 = arith.addf %parallel_loop3A_88, %parallel_loop3A_89 : vector<32xbf16>
      %parallel_loop3A_91 = vector.broadcast %parallel_loop3A_63 : bf16 to vector<32xbf16>
      %parallel_loop3A_92 = arith.divf %parallel_loop3A_91, %parallel_loop3A_90 : vector<32xbf16>
      %parallel_loop3A_93 = arith.mulf %parallel_loop3A_92, %bitcast3A_30 : vector<32xbf16>
      %parallel_loop3A_94 = arith.addf %parallel_loop3A_82, %parallel_loop3A_93 : vector<32xbf16>
      %parallel_loop3A_95 = tpu.vector_load_idx %arg6[%parallel_loop3A_66, %broadcast_in_dim3A_45] : memref<10000x8xi32, #tpu.memory_space<vmem>>[vector<16xi32>, vector<16xi32>], vector<16xi32>,
      %parallel_loop3A_96 = tpu.vector_load_idx %arg6[%parallel_loop3A_68, %broadcast_in_dim3A_53] : memref<10000x8xi32, #tpu.memory_space<vmem>>[vector<16xi32>, vector<16xi32>], vector<16xi32>,
      %parallel_loop3A_97 = vector.bitcast %parallel_loop3A_95 : vector<16xi32> to vector<32xbf16>
      %parallel_loop3A_98 = vector.bitcast %parallel_loop3A_96 : vector<16xi32> to vector<32xbf16>
      %parallel_loop3A_99 = arith.addf %parallel_loop3A_97, %parallel_loop3A_98 : vector<32xbf16>
      %parallel_loop3A_100 = math.exp %parallel_loop3A_99 : vector<32xbf16>
      %parallel_loop3A_101 = vector.broadcast %parallel_loop3A_63 : bf16 to vector<32xbf16>
      %parallel_loop3A_102 = arith.addf %parallel_loop3A_100, %parallel_loop3A_101 : vector<32xbf16>
      %parallel_loop3A_103 = vector.broadcast %parallel_loop3A_63 : bf16 to vector<32xbf16>
      %parallel_loop3A_104 = arith.divf %parallel_loop3A_103, %parallel_loop3A_102 : vector<32xbf16>
      %parallel_loop3A_105 = arith.mulf %parallel_loop3A_104, %bitcast3A_35 : vector<32xbf16>
      %parallel_loop3A_106 = arith.addf %parallel_loop3A_94, %parallel_loop3A_105 : vector<32xbf16>
      %parallel_loop3A_107 = tpu.vector_load_idx %arg6[%parallel_loop3A_66, %broadcast_in_dim3A_47] : memref<10000x8xi32, #tpu.memory_space<vmem>>[vector<16xi32>, vector<16xi32>], vector<16xi32>,
      %parallel_loop3A_108 = tpu.vector_load_idx %arg6[%parallel_loop3A_68, %broadcast_in_dim3A_55] : memref<10000x8xi32, #tpu.memory_space<vmem>>[vector<16xi32>, vector<16xi32>], vector<16xi32>,
      %parallel_loop3A_109 = vector.bitcast %parallel_loop3A_107 : vector<16xi32> to vector<32xbf16>
      %parallel_loop3A_110 = vector.bitcast %parallel_loop3A_108 : vector<16xi32> to vector<32xbf16>
      %parallel_loop3A_111 = arith.addf %parallel_loop3A_109, %parallel_loop3A_110 : vector<32xbf16>
      %parallel_loop3A_112 = math.exp %parallel_loop3A_111 : vector<32xbf16>
      %parallel_loop3A_113 = vector.broadcast %parallel_loop3A_63 : bf16 to vector<32xbf16>
      %parallel_loop3A_114 = arith.addf %parallel_loop3A_112, %parallel_loop3A_113 : vector<32xbf16>
      %parallel_loop3A_115 = vector.broadcast %parallel_loop3A_63 : bf16 to vector<32xbf16>
      %parallel_loop3A_116 = arith.divf %parallel_loop3A_115, %parallel_loop3A_114 : vector<32xbf16>
      %parallel_loop3A_117 = arith.mulf %parallel_loop3A_116, %bitcast3A_40 : vector<32xbf16>
      %parallel_loop3A_118 = arith.addf %parallel_loop3A_106, %parallel_loop3A_117 : vector<32xbf16>
      %parallel_loop3A_119 = vector.bitcast %parallel_loop3A_118 : vector<32xbf16> to vector<16xi32>
      %parallel_loop3A_120 = arith.constant 16 : i32
      %parallel_loop3A_121 = vector.broadcast %parallel_loop3A_120 : i32 to vector<16xi32>
      %parallel_loop3A_122 = arith.shli %parallel_loop3A_119, %parallel_loop3A_121 : vector<16xi32>
      %parallel_loop3A_123 = vector.bitcast %parallel_loop3A_122 : vector<16xi32> to vector<16xf32>
      %parallel_loop3A_124 = arith.constant -65536 : i32
      %parallel_loop3A_125 = vector.broadcast %parallel_loop3A_124 : i32 to vector<16xi32>
      %parallel_loop3A_126 = arith.andi %parallel_loop3A_119, %parallel_loop3A_125 : vector<16xi32>
      %parallel_loop3A_127 = vector.bitcast %parallel_loop3A_126 : vector<16xi32> to vector<16xf32>
      %parallel_loop3A_128 = arith.addf %bitcast3A_60, %parallel_loop3A_123 : vector<16xf32>
      %parallel_loop3A_129 = arith.addf %parallel_loop3A_128, %parallel_loop3A_127 : vector<16xf32>
      %parallel_loop3A_130 = math.exp %parallel_loop3A_129 : vector<16xf32>
      %parallel_loop3A_131 = arith.constant 1.000000e+00 : f32
      %parallel_loop3A_132 = vector.broadcast %parallel_loop3A_131 : f32 to vector<16xf32>
      %parallel_loop3A_133 = arith.addf %parallel_loop3A_132, %parallel_loop3A_130 : vector<16xf32>
      %parallel_loop3A_134 = arith.constant 1.000000e+00 : f32
      %parallel_loop3A_135 = vector.broadcast %parallel_loop3A_134 : f32 to vector<16xf32>
      %parallel_loop3A_136 = arith.divf %parallel_loop3A_135, %parallel_loop3A_133 : vector<16xf32>
      %parallel_loop3A_137 = arith.index_cast %parallel_loop3A_64 : i32 to index
      %parallel_loop3A_138 = tpu.vector_load %arg10[%parallel_loop3A_137] {strides = array<i32>} : memref<10000xf32, #tpu.memory_space<vmem>>, vector<16xf32>,
      tpu.vector_store %arg10[%parallel_loop3A_137], %parallel_loop3A_136 {strides = array<i32>} : memref<10000xf32, #tpu.memory_space<vmem>>, vector<16xf32>,
    } {sc.loop_unroll_factor = 4 : i64, sc.parallel_access}
    "tpu.region"() ({
      %run_scoped3A = tpu.sem_alloc : memref<!tpu.dma_semaphore, #tpu.memory_space<semaphore_mem>>
      %dma_start3A_64 = tpu.memref_slice %arg5[%mul3A_2] : memref<320000xf32, #tpu.memory_space<hbm>> -> memref<10000xf32, #tpu.memory_space<hbm>>
      %dma_start3A_65 = tpu.memref_slice %arg5[%mul3A_2] : memref<320000xf32, #tpu.memory_space<hbm>> -> memref<10000xf32, #tpu.memory_space<hbm>>
      tpu.enqueue_dma source(%arg10 : memref<10000xf32, #tpu.memory_space<vmem>>) target(%dma_start3A_65 : memref<10000xf32, #tpu.memory_space<hbm>>) target_semaphore(%run_scoped3A : memref<!tpu.dma_semaphore, #tpu.memory_space<semaphore_mem>>)
      %dma_wait3A_66 = tpu.memref_slice %arg5[%mul3A_2] : memref<320000xf32, #tpu.memory_space<hbm>> -> memref<10000xf32, #tpu.memory_space<hbm>>
      %dma_wait3A_67 = tpu.memref_slice %arg5[%mul3A_2] : memref<320000xf32, #tpu.memory_space<hbm>> -> memref<10000xf32, #tpu.memory_space<hbm>>
      tpu.wait_dma2 semaphore(%run_scoped3A : memref<!tpu.dma_semaphore, #tpu.memory_space<semaphore_mem>>) src(%arg10 : memref<10000xf32, #tpu.memory_space<vmem>>) dst(%dma_wait3A_67 : memref<10000xf32, #tpu.memory_space<hbm>>)
      tpu.yield
    }) : () -> ()
    return
  }
}

module attributes {stable_mosaic.version = 14 : i64} {
  func.func @_table_kernel(%arg0: memref<10000x128xf32, #tpu.memory_space<vmem>>, %arg1: memref<128x8xf32, #tpu.memory_space<vmem>>, %arg2: memref<128x8xf32, #tpu.memory_space<vmem>>, %arg3: memref<1x8xf32, #tpu.memory_space<vmem>>, %arg4: memref<1x8xf32, #tpu.memory_space<vmem>>, %arg5: memref<10000x8xi32, #tpu.memory_space<vmem>>) attributes {dimension_semantics = [], scalar_prefetch = 0 : i64, scratch_operands = 0 : i64, tpu.core_type = #tpu.core_type<tc>} {
    %get3A = arith.constant 0 : index
    %get3A_0 = arith.constant 0 : index
    %get3A_1 = vector.load %arg0[%get3A, %get3A_0] : memref<10000x128xf32, #tpu.memory_space<vmem>>, vector<10000x128xf32>
    %get3A_2 = arith.constant 0 : index
    %get3A_3 = arith.constant 0 : index
    %get3A_4 = vector.load %arg1[%get3A_2, %get3A_3] : memref<128x8xf32, #tpu.memory_space<vmem>>, vector<128x8xf32>
    %dot_general3A = arith.constant dense<0.000000e+00> : vector<10000x8xf32>
    %dot_general3A_5 = tpu.matmul %get3A_1, %get3A_4, %dot_general3A {dimension_numbers = #tpu.dot_dimension_numbers<[1], [0], [0], [1], [0, 0, 1, 1], [], []>, transpose_lhs_hint = false} : vector<10000x128xf32>, vector<128x8xf32>, vector<10000x8xf32> -> vector<10000x8xf32>
    %get3A_6 = arith.constant 0 : index
    %get3A_7 = arith.constant 0 : index
    %get3A_8 = vector.load %arg3[%get3A_6, %get3A_7] : memref<1x8xf32, #tpu.memory_space<vmem>>, vector<1x8xf32>
    %add3A = vector.broadcast %get3A_8 : vector<1x8xf32> to vector<10000x8xf32>
    %add3A_9 = arith.addf %dot_general3A_5, %add3A : vector<10000x8xf32>
    %get3A_10 = arith.constant 0 : index
    %get3A_11 = arith.constant 0 : index
    %get3A_12 = vector.load %arg2[%get3A_10, %get3A_11] : memref<128x8xf32, #tpu.memory_space<vmem>>, vector<128x8xf32>
    %dot_general3A_13 = arith.constant dense<0.000000e+00> : vector<10000x8xf32>
    %dot_general3A_14 = tpu.matmul %get3A_1, %get3A_12, %dot_general3A_13 {dimension_numbers = #tpu.dot_dimension_numbers<[1], [0], [0], [1], [0, 0, 1, 1], [], []>, transpose_lhs_hint = false} : vector<10000x128xf32>, vector<128x8xf32>, vector<10000x8xf32> -> vector<10000x8xf32>
    %get3A_15 = arith.constant 0 : index
    %get3A_16 = arith.constant 0 : index
    %get3A_17 = vector.load %arg4[%get3A_15, %get3A_16] : memref<1x8xf32, #tpu.memory_space<vmem>>, vector<1x8xf32>
    %add3A_18 = vector.broadcast %get3A_17 : vector<1x8xf32> to vector<10000x8xf32>
    %add3A_19 = arith.addf %dot_general3A_14, %add3A_18 : vector<10000x8xf32>
    %bitcast_convert_type3A = tpu.bitcast %add3A_9 : vector<10000x8xf32> -> vector<10000x8xi32>
    %add3A_20 = arith.constant 32767 : i32
    %add3A_21 = vector.broadcast %add3A_20 : i32 to vector<10000x8xi32>
    %add3A_22 = arith.addi %bitcast_convert_type3A, %add3A_21 : vector<10000x8xi32>
    %shift_right_logical3A = arith.constant 16 : i32
    %shift_right_logical3A_23 = vector.broadcast %shift_right_logical3A : i32 to vector<10000x8xi32>
    %shift_right_logical3A_24 = arith.shrui %bitcast_convert_type3A, %shift_right_logical3A_23 : vector<10000x8xi32>
    %and3A = arith.constant 1 : i32
    %and3A_25 = vector.broadcast %and3A : i32 to vector<10000x8xi32>
    %and3A_26 = arith.andi %shift_right_logical3A_24, %and3A_25 : vector<10000x8xi32>
    %add3A_27 = arith.addi %add3A_22, %and3A_26 : vector<10000x8xi32>
    %bitcast_convert_type3A_28 = tpu.bitcast %add3A_19 : vector<10000x8xf32> -> vector<10000x8xi32>
    %add3A_29 = arith.constant 32767 : i32
    %add3A_30 = vector.broadcast %add3A_29 : i32 to vector<10000x8xi32>
    %add3A_31 = arith.addi %bitcast_convert_type3A_28, %add3A_30 : vector<10000x8xi32>
    %shift_right_logical3A_32 = arith.constant 16 : i32
    %shift_right_logical3A_33 = vector.broadcast %shift_right_logical3A_32 : i32 to vector<10000x8xi32>
    %shift_right_logical3A_34 = arith.shrui %bitcast_convert_type3A_28, %shift_right_logical3A_33 : vector<10000x8xi32>
    %and3A_35 = arith.constant 1 : i32
    %and3A_36 = vector.broadcast %and3A_35 : i32 to vector<10000x8xi32>
    %and3A_37 = arith.andi %shift_right_logical3A_34, %and3A_36 : vector<10000x8xi32>
    %add3A_38 = arith.addi %add3A_31, %and3A_37 : vector<10000x8xi32>
    %and3A_39 = arith.constant -65536 : i32
    %and3A_40 = vector.broadcast %and3A_39 : i32 to vector<10000x8xi32>
    %and3A_41 = arith.andi %add3A_38, %and3A_40 : vector<10000x8xi32>
    %shift_right_logical3A_42 = arith.constant 16 : i32
    %shift_right_logical3A_43 = vector.broadcast %shift_right_logical3A_42 : i32 to vector<10000x8xi32>
    %shift_right_logical3A_44 = arith.shrui %add3A_27, %shift_right_logical3A_43 : vector<10000x8xi32>
    %and3A_45 = arith.constant 65535 : i32
    %and3A_46 = vector.broadcast %and3A_45 : i32 to vector<10000x8xi32>
    %and3A_47 = arith.andi %shift_right_logical3A_44, %and3A_46 : vector<10000x8xi32>
    %or3A = arith.ori %and3A_41, %and3A_47 : vector<10000x8xi32>
    %swap3A = arith.constant 0 : index
    %swap3A_48 = arith.constant 0 : index
    %swap3A_49 = vector.load %arg5[%swap3A, %swap3A_48] : memref<10000x8xi32, #tpu.memory_space<vmem>>, vector<10000x8xi32>
    tpu.vector_store %arg5[%swap3A, %swap3A_48], %or3A {strides = array<i32>} : memref<10000x8xi32, #tpu.memory_space<vmem>>, vector<10000x8xi32>,
    return
  }
}

</mosaic_0001>

<sc_bundles>
// kernel: kernel.4.cloned.1.call-start
scs
__scs_entry_jumppad:
0x0: {  	(pc) =	sbr.rel $0x88, $3  }
0x1: {  	(tag) =	ssettag $0x0;
	lr =	simm.s32 $0x1  }
0x2: {  	[smem:$0x3F9B] =	sst lr;
	_ =	strace $0xD0000000  }
0x3: {  	_ = 	snop  }
0x4: {  	_ = 	snop  }
0x5: {  	_ = 	snop  }
0x6: {  	_ = 	snop  }
0x7: {  	_ = 	snop  }
__scs_overlays_trampoline_lowered:
0x8: {  	[smem:$0x3FAA] =	sst s0  }
0x9: {  	[smem:$0x3FAB] =	sst s1  }
0xa: {  	[smem:$0x3FAC] =	sst s2  }
0xb: {  	[smem:$0x3FAD] =	sst s3  }
0xc: {  	[smem:$0x3FAE] =	sst s4  }
0xd: {  	[smem:$0x3FAF] =	sst s5  }
0xe: {  	[smem:$0x3FB0] =	sst s6  }
0xf: {  	[smem:$0x3FB1] =	sst s7  }
0x10: {  	[smem:$0x3FB2] =	sst s8  }
0x11: {  	[smem:$0x3FB3] =	sst s9;
	s0 =	simm.s32 @!p0 $0x0  }
0x12: {  	s1 =	sld [smem:$0x3F99];
	s0 =	simm.s32 @p0 $0x1  }
0x13: {  	[smem:$0x3FB4] =	sst s0;
	s0 =	simm.s32 @!p1 $0x0  }
0x14: {  	s2 =	sld [smem:$0x3F98];
	s0 =	simm.s32 @p1 $0x1  }
0x15: {  	[smem:$0x3FB5] =	sst s0;
	s0 =	simm.s32 @!p2 $0x0  }
0x16: {  	s3 =	sld [smem:$0x3FDB];
	s0 =	simm.s32 @p2 $0x1  }
0x17: {  	s4 =	simm.s32 $0x1BF5;
	[smem:$0x3FB7] =	sst s0  }
0x18: {  	s0 =	sld [smem:$0x3F9A];
	_ =	swait.ge [sflag:s4], $0x0  }
0x19: {  	s7 =	sld [smem:$0x3F9B]  }
0x1a: {  	s8 =	sadd.s32 $0xFFFFE003, lr  }
0x1b: {  	s9 =	sadd.s32 $0xFFFFFEF7, lr;
	s5 =	simm.s32 $0xFFFFFFFF;
	p2 =	slt.u32 s8, $0xFFFFF086  }
0x1c: {  	p1 =	slt.u32 s9, $0xF7A;
	s5 =	simm.s32 @!p2 $0x0  }
0x1d: {  	s5 =	simm.s32 @p1 $0x1;
	p0 =	seq.s32 s7, s2  }
0x1e: {  	s7 =	smul.u32 @!p0 $0xF7A, s2;
	p2 =	seq.s32 @!p0 s5, $0x0  }
0x1f: {  	s9 =	smul.u32 $0xF7A, s1;
	s8 =	simm.s32 @!p0 $0x1BF5;
	p2 =	por !p2, p0  }
0x20: {  	[sflag:s8] =	ssyncset.s32 @!p0 $0xFFFFF086;
	s6 =	sadd.s32 @!p0 s3, s7;
	s7 =	simm.s32 @!p0 $0x108  }
0x21: {  	s3 =	sadd.s32 s3, s9;
	s6 =	sadd.s32 @!p0 $0x88, s6;
	s7 =	simm.s32 @p2 $0x1082  }
0x22: {  	[simem:s7], [sflag:s8] =	dma.local @!p0 [hbm:s6], $0xF7A  }
0x23: {  	s9 =	sor.u32 $0xD0000000, s2;
	s6 =	simm.s32 $0x108;
	_ =	swait.ge @!p0 [sflag:s8], $0x0  }
0x24: {  	s3 =	sadd.s32 $0x88, s3;
	s6 =	simm.s32 @!p1 $0x1082;
	[sflag:s4] =	ssyncset.s32 $0xFFFFF086  }
0x25: {  	[simem:s6], [sflag:s4] =	dma.local [hbm:s3], $0xF7A  }
0x26: {  	[smem:$0x3F9B] =	sst s1;
	(tag) =	ssettag s2;
	_ =	strace s9  }
0x27: {  	s1 =	sld [smem:$0x3FAB]  }
0x28: {  	s2 =	sld [smem:$0x3FAC]  }
0x29: {  	s4 =	sld [smem:$0x3FAE]  }
0x2a: {  	p0 =	seq.s32 s5, $0x0;
	s5 =	sld [smem:$0x3FAF]  }
0x2b: {  	s6 =	sld [smem:$0x3FB0]  }
0x2c: {  	s7 =	sld [smem:$0x3FB1]  }
0x2d: {  	s3 =	simm.s32 $0x108;
	s8 =	sld [smem:$0x3FB2]  }
0x2e: {  	s3 =	simm.s32 @!p0 $0x1082;
	s9 =	sld [smem:$0x3FB3]  }
0x2f: {  	lr =	sadd.s32 s0, s3;
	s0 =	sld [smem:$0x3FAA]  }
0x30: {  	s3 =	sld [smem:$0x3FAD]  }
0x31: {  	[smem:$0x3FB6] =	sst s10  }
0x32: {  	s10 =	sld [smem:$0x3FB4];
	_ =	sdelay $0x3  }
0x33: {  	p0 =	seq.s32 s10, $0x1;
	s10 =	sld [smem:$0x3FB6];
	_ =	sdelay $0x3  }
0x34: {  	[smem:$0x3FB6] =	sst s10  }
0x35: {  	s10 =	sld [smem:$0x3FB5];
	_ =	sdelay $0x3  }
0x36: {  	p1 =	seq.s32 s10, $0x1;
	s10 =	sld [smem:$0x3FB6];
	_ =	sdelay $0x3  }
0x37: {  	[smem:$0x3FB6] =	sst s10  }
0x38: {  	s10 =	sld [smem:$0x3FB7]  }
0x39: {  	_ = 	snop;
	(pc) =	sbr.ind lr, $3  }
0x3a: {  	_ = 	snop  }
0x3b: {  	_ = 	snop  }
0x3c: {  	p2 =	seq.s32 s10, $0x1;
	s10 =	sld [smem:$0x3FB6]  }
0x3d: {  	_ =	shalt  }
0x3e: {  	_ =	shalt  }
0x3f: {  	_ =	shalt  }
0x40: {  	_ =	shalt  }
0x41: {  	_ =	shalt  }
0x42: {  	_ =	shalt  }
0x43: {  	_ =	shalt  }
0x44: {  	_ =	shalt  }
0x45: {  	_ =	shalt  }
0x46: {  	_ =	shalt  }
0x47: {  	_ =	shalt  }
0x48: {  	_ =	shalt  }
0x49: {  	_ =	shalt  }
0x4a: {  	_ =	shalt  }
0x4b: {  	_ =	shalt  }
0x4c: {  	_ =	shalt  }
0x4d: {  	_ =	shalt  }
0x4e: {  	_ =	shalt  }
0x4f: {  	_ =	shalt  }
0x50: {  	_ =	shalt  }
0x51: {  	_ =	shalt  }
0x52: {  	_ =	shalt  }
0x53: {  	_ =	shalt  }
0x54: {  	_ =	shalt  }
0x55: {  	_ =	shalt  }
0x56: {  	_ =	shalt  }
0x57: {  	_ =	shalt  }
0x58: {  	_ =	shalt  }
0x59: {  	_ =	shalt  }
0x5a: {  	_ =	shalt  }
0x5b: {  	_ =	shalt  }
0x5c: {  	_ =	shalt  }
0x5d: {  	_ =	shalt  }
0x5e: {  	_ =	shalt  }
0x5f: {  	_ =	shalt  }
0x60: {  	_ =	shalt  }
0x61: {  	_ =	shalt  }
0x62: {  	_ =	shalt  }
0x63: {  	_ =	shalt  }
0x64: {  	_ =	shalt  }
0x65: {  	_ =	shalt  }
0x66: {  	_ =	shalt  }
0x67: {  	_ =	shalt  }
0x68: {  	_ =	shalt  }
0x69: {  	_ =	shalt  }
0x6a: {  	_ =	shalt  }
0x6b: {  	_ =	shalt  }
0x6c: {  	_ =	shalt  }
0x6d: {  	_ =	shalt  }
0x6e: {  	_ =	shalt  }
0x6f: {  	_ =	shalt  }
0x70: {  	_ =	shalt  }
0x71: {  	_ =	shalt  }
0x72: {  	_ =	shalt  }
0x73: {  	_ =	shalt  }
0x74: {  	_ =	shalt  }
0x75: {  	_ =	shalt  }
0x76: {  	_ =	shalt  }
0x77: {  	_ =	shalt  }
0x78: {  	_ =	shalt  }
0x79: {  	_ =	shalt  }
0x7a: {  	_ =	shalt  }
0x7b: {  	_ =	shalt  }
0x7c: {  	_ =	shalt  }
0x7d: {  	_ =	shalt  }
0x7e: {  	_ =	shalt  }
0x7f: {  	_ =	shalt  }
0x80: {  	_ =	shalt  }
0x81: {  	_ =	shalt  }
0x82: {  	_ =	shalt  }
0x83: {  	_ =	shalt  }
0x84: {  	_ =	shalt  }
0x85: {  	_ =	shalt  }
0x86: {  	_ =	shalt  }
0x87: {  	_ =	shalt  }
.Lfunc_end0:
.L_simem_size_0:
called_computation_lowered:
.L_overlay_start_0:
0x88: {  	s2 =	sld [smem:$0x3FD9]  }
0x89: {  	s3 =	sld [smem:$0x3FFE];
	_ =	sdelay $0x1  }
0x8a: {  	s1 =	srdreg.scid  }
0x8b: {  	s0 =	sand.u32 $0x1, s1  }
0x8c: {  	s17 =	sshll.u32 s0, $0xA;
	s2 =	sadd.s32 s3, s2  }
0x8d: {  	s2 =	sadd.s32 s2, s17  }
0x8e: {  	[smem:$0x3FC2] =	sst s2  }
0x8f: {  	_ = 	snop  }
0x90: {  	s2 =	sld [smem:$0x3FD0];
	(tm) =	ssettm $0x1  }
0x91: {  	s18 =	sld [smem:$0x3FFB];
	_ =	sdelay $0x3  }
0x92: {  	_ =	strace s18  }
0x93: {  	s3 =	sld [smem:$0x3FFC];
	_ =	sdelay $0x3  }
0x94: {  	_ =	strace s3  }
0x95: {  	s3 =	sld [smem:$0x3FFD];
	_ =	sdelay $0x3  }
0x96: {  	_ =	strace s3  }
0x97: {  	_ =	strace $0x8FFFFFFF  }
0x98: {  	s19 =	sld [smem:$0x3FDB];
	_ =	sdelay $0x1  }
0x99: {  	s4 =	simm.s32 $_scs_section_size  }
0x9a: {  	s5 =	simm.s32 $_size__tile_overlayer_lowered;
	s6 =	simm.s32 $_tile_overlayer_lowered  }
0x9b: {  	s22 =	simm.s32 $0x1BFF;
	s21 =	sshll.u32 s6, $0x1;
	s3 =	sadd.s32 s4, s19  }
0x9c: {  	s7 =	simm.s32 $0x0;
	s20 =	sshll.u32 s5, $0x1;
	s5 =	sadd.s32 s21, s3  }
0x9d: {  	[timem:s7], [sflag:s22] =	dma.local [hbm:s5], s20  }
0x9e: {  	_ =	swait.ge [sflag:s22], s20  }
0x9f: {  	s4 =	ssub.s32 $0x0, s20;
	[sflag:s22] =	ssyncset.done $0x0  }
0xa0: {  	[sflag:s22] =	ssyncadd.s32 s4;
	_ =	sdelay $0x1  }
0xa1: {  	s23 =	simm.s32 $0x1B8B  }
0xa2: {  	_ =	swait.ge [sflag:s23], $0x1  }
0xa3: {  	[sflag:s23] =	ssyncset.done $0x0  }
0xa4: {  	s25 =	simm.s32 $0x1B8E;
	s24 =	sld [smem:$0x3FFE];
	[sflag:s23] =	ssyncadd.s32 $0xFFFFFFFF  }
0xa5: {  	s26 =	simm.s32 $execute0_lowered;
	[smem:$0x3FD2] =	sst s25  }
0xa6: {  	s5 =	sshll.u32 s26, $0x1;
	_ =	strace $0x80000046;
	[dreg:$0x1] =	wrdreg $0xFFFFFFFF  }
0xa7: {  	s28 =	simm.s32 $_size_execute0_lowered;
	s3 =	sadd.s32 s3, s5;
	[dreg:$0x0] =	wrdreg $0x0  }
0xa8: {  	s5 =	sshll.u32 s28, $0x1;
	[dreg:$0x2] =	wrdreg s3  }
0xa9: {  	[dreg:$0x3] =	wrdreg s5  }
0xaa: {  	[dreg:$0x4] =	wrdreg $0xC0  }
0xab: {  	_ =	task [dreg:s7], $0x5FFFF  }
0xac: {  	[dreg:$0x1] =	wrdreg $0xFFFFFFFF  }
0xad: {  	[dreg:$0x0] =	wrdreg $0x60  }
0xae: {  	[dreg:$0x2] =	wrdreg s2  }
0xaf: {  	[dreg:$0x3] =	wrdreg s24  }
0xb0: {  	[dreg:$0x4] =	wrdreg $0x1AE000  }
0xb1: {  	[dreg:$0x5] =	wrdreg $0x9  }
0xb2: {  	_ =	task.clear_ibuf [dreg:s7], $0x6FFFF;
	_ =	strace $0x90000046  }
0xb3: {  	s29 =	simm.s32 $0x9;
	_ =	strace $0x80000048  }
0xb4: {  	_ =	swait.ge [sflag:s29], $0x1  }
0xb5: {  	[sflag:s29] =	ssyncadd.s32 $0xFFFFFFFF  }
0xb6: {  	_ =	strace $0x90000048  }
0xb7: {  	_ =	sfence  }
0xb8: {  	s30 =	sld [smem:$0x0];
	_ =	sdelay $0x2  }
0xb9: {  	s31 =	sshll.u32 s1, $0xD;
	s1 =	sshrl.u32 s1, $0x2  }
0xba: {  	s3 =	sand.u32 $0x4000, s31;
	s1 =	sadd.s32 s1, s30  }
0xbb: {  	s0 =	sor.u32 s3, s0;
	s1 =	sshll.u32 s1, $0x11  }
0xbc: {  	s0 =	sor.u32 s1, s0  }
0xbd: {  	s0 =	sadd.s32 $0x8F2B, s0  }
0xbe: {  	[sflag:s0] =	ssyncadd.remote.s32 $0x1  }
0xbf: {  	_ =	sfence.sel $0xFFFF  }
0xc0: {  	[dreg:$0x0] =	wrdreg $0xFFFFFFFF;
	(pc) =	sbr.abs _section_cstart, $3  }
0xc1: {  	[dreg:$0x1] =	wrdreg $0xFFFFFFFF  }
0xc2: {  	_ =	task.clear_ibuf [dreg:s7], $0x2FFFF;
	_ =	strace $0x9FFFFFFF  }
0xc3: {  	(tm) =	ssettm $0x7FFFFFFF  }
tec
execute0_lowered:
.L_overlay_start_1:
0x0: {  	(tag) =	ssettag $0x1  }
0x1: {  	s0 =	rddreg [dreg:$0x0]  }
0x2: {  	s1 =	srdreg.scid;
	s5 =	rddreg [dreg:$0x1]  }
0x3: {  	s9 =	stileid.u32;
	s2 =	rddreg [dreg:$0x2]  }
0x4: {  	s3 =	simm.s32 $0x0;
	s11 =	simm.s32 $0x186A0;
	s13 =	simm.s32 $0x1  }
0x5: {  	s14 =	simm.s32 $0x2;
	s15 =	simm.s32 $0x3;
	s16 =	simm.s32 $0x4  }
0x6: {  	s17 =	simm.s32 $0x186F0;
	s4 =	sand.u32 $0x1, s1;
	s30 =	sshll.u32 s9, $0x1  }
0x7: {  	s18 =	simm.s32 $0x5;
	s19 =	simm.s32 $0x0;
	s1 =	sor.u32 s4, s30  }
0x8: {  	[smem:$0x7FF] =	sst s3;
	p0 =	sne.s32 s9, $0x0;
	s6 =	smul.u32 $0x2710, s1  }
0x9: {  	s9 =	simm.s32 $0x13880;
	s7 =	ssub.s32 $0x2, s4;
	s4 =	sadd.s32 $0x800, s5  }
0xa: {  	s12 =	sshrl.u32 @!p0 s2, $0x3;
	s1 =	rddreg [dreg:$0x3];
	s6 =	sshrl.u32 s6, $0x3  }
0xb: {  	_ =	strace $0x80000047;
	s31 =	sshrl.u32 s7, $0x1;
	s8 =	sadd.s32 s6, s5  }
0xc: {  	s10 =	ssub.s32 s7, s31;
	s5 =	sadd.s32 $0xA640, s8;
	s6 =	sadd.s32 $0xA00, s8  }
0xd: {  	v0 =	vimm.bf16 $1.4450e+00;
	v1 =	vimm.bf16 $1.0000e+00;
	v2 =	vimm.bf16 $0.0e+00;
	s7 =	sadd.s32 $0x14400, s8;
	s8 =	smax.u32 s10, $0x1;
	s10 =	simm.s32 $0x15F90  }
.LBB2_1:
0xe: {  	[tilespmem:s9], [sflag:$0x1] =	stream.linear.gather [hbm4b:s5+s3], $0x2710, $0x38;
	[tilespmem:$0x1C188] =	vst v63  }
0xf: {  	_ = 	snop  }
0x10: {  	[tilespmem:s10], [sflag:$0x2] =	stream.linear.gather [hbm4b:s6+s3], $0x2710, $0x38;
	[tilespmem:$0x1C188] =	vst v63  }
0x11: {  	s20 =	simm.s32 @!p0 $0x1C05  }
0x12: {  	[tilespmem:s11], [sflag:$0x3] =	stream.linear.gather [hbm4b:s4+s3], $0x50, $0x38;
	[tilespmem:$0x1C188] =	vst v63  }
0x13: {  	[spmem:s12], [sflag:s20] =	dma.local @!p0 [hbm:s0], $0x2710  }
0x14: {  	s20 =	simm.s32 @!p0 $0x5  }
0x15: {  	_ =	swait.ge @!p0 [sflag:s20], $0x2710  }
0x16: {  	[sflag:s20] =	ssyncset.done @!p0 $0x0  }
0x17: {  	[sflag:s20] =	ssyncadd.s32 @!p0 $0xFFFFD8F0  }
0x18: {  	[bflag:$0x0] =	sbarrier.arrive $0xFFFF  }
0x19: {  	[tilespmem:s3], [sflag:$0x4] =	stream.linear.gather [spmem:s2], $0x13880, $0x38;
	[tilespmem:$0x1C188] =	vst v63  }
0x1a: {  	_ =	swait.ge [sflag:s13], $0x2710  }
0x1b: {  	[sflag:s13] =	ssyncset.done $0x0  }
0x1c: {  	[sflag:s13] =	ssyncadd.s32 $0xFFFFD8F0  }
0x1d: {  	_ =	swait.ge [sflag:s14], $0x2710  }
0x1e: {  	[sflag:s14] =	ssyncset.done $0x0  }
0x1f: {  	[sflag:s14] =	ssyncadd.s32 $0xFFFFD8F0  }
0x20: {  	_ =	swait.ge [sflag:s15], $0x50  }
0x21: {  	[sflag:s15] =	ssyncset.done $0x0  }
0x22: {  	[sflag:s15] =	ssyncadd.s32 $0xFFFFFFB0  }
0x23: {  	_ =	swait.ge [sflag:s16], $0x13880  }
0x24: {  	[sflag:s16] =	ssyncset.done $0x0  }
0x25: {  	s31 =	simm.s32 $0x138A0;
	[sflag:s16] =	ssyncadd.s32 $0xFFFEC780  }
0x26: {  	s21 =	simm.s32 $0x15FB0;
	v3 =	vld [tilespmem:s31+$0x0]  }
0x27: {  	v4 =	vld [tilespmem:s21+$0x0];
	_ =	sdelay $0x4  }
0x28: {  	v7 =	vld [tilespmem:s21+$0xFFFFFFF0];
	v3 =	vshll.u32 v3, $0x3;
	v4 =	vshll.u32 v4, $0x3  }
0x29: {  	v6 =	vor.u32 $0x4, v4  }
0x2a: {  	v5 =	vld [tilespmem:s31+$0xFFFFFFF0]  }
0x2b: {  	v8 =	vld [tilespmem:s21+$0x10]  }
0x2c: {  	v10 =	vld [tilespmem:s31+$0x10]  }
0x2d: {  	v7 =	vshll.u32 v7, $0x3;
	v9 =	vld.idx.msk [tilespmem:v3+s3+$0x0], $0xffff  }
0x2e: {  	v12 =	vor.u32 $0x4, v7;
	v6 =	vld.idx.msk [tilespmem:v6+s3+$0x0], $0xffff  }
0x2f: {  	v11 =	vld [tilespmem:s31+$0xFFFFFFE0];
	v5 =	vshll.u32 v5, $0x3;
	_ =	sdelay $0x1  }
0x30: {  	v13 =	vor.u32 $0x5, v7  }
0x31: {  	v15 =	vld [tilespmem:s21+$0xFFFFFFE0];
	v8 =	vshll.u32 v8, $0x3;
	v14 =	vor.u32 $0x1, v5  }
0x32: {  	v16 =	vor.u32 $0x4, v8;
	v12 =	vld.idx.msk [tilespmem:v12+s3+$0x0], $0xffff;
	v6 =	vadd.bf16 v6, v9  }
0x33: {  	v10 =	vshll.u32 v10, $0x3;
	v11 =	vshll.u32 v11, $0x3;
	v9 =	vld.idx.msk [tilespmem:v5+s3+$0x0], $0xffff  }
0x34: {  	v17 =	vor.u32 $0x1, v11;
	v6 =	vmul.bf16 v0, v6  }
0x35: {  	v19 =	vor.u32 $0x1, v10;
	v13 =	vld.idx.msk [tilespmem:v13+s3+$0x0], $0xffff  }
0x36: {  	v18 =	vor.u32 $0x3, v3;
	v14 =	vld.idx.msk [tilespmem:v14+s3+$0x0], $0xffff;
	(erf) = vpow2.bf16 v6  }
0x37: {  	v6 =	vld.idx.msk [tilespmem:v16+s3+$0x0], $0xffff;
	v16 =	vor.u32 $0x7, v4  }
0x38: {  	v15 =	vshll.u32 v15, $0x3;
	v21 =	vor.u32 $0x5, v8;
	v20 =	vld.idx.msk [tilespmem:v10+s3+$0x0], $0xffff;
	v9 =	vadd.bf16 v12, v9  }
0x39: {  	v17 =	vld.idx.msk [tilespmem:v17+s3+$0x0], $0xffff;
	v12 =	vor.u32 $0x5, v15  }
0x3a: {  	v19 =	vld.idx.msk [tilespmem:v19+s3+$0x0], $0xffff;
	v9 =	vmul.bf16 v0, v9  }
0x3b: {  	v13 =	vadd.bf16 v13, v14;
	v14 =	vld.idx.msk [tilespmem:v18+s3+$0x0], $0xffff;
	v18 =	vor.u32 $0x2, v5  }
0x3c: {  	v22 =	vor.u32 $0x6, v7;
	v16 =	vld.idx.msk [tilespmem:v16+s3+$0x0], $0xffff;
	(erf) = vpow2.bf16 v9  }
0x3d: {  	v6 =	vadd.bf16 v6, v20;
	v9 =	vmul.bf16 v0, v13;
	v13 =	vor.u32 $0x2, v3;
	v20 =	vld.idx.msk [tilespmem:v21+s3+$0x0], $0xffff  }
0x3e: {  	v21 =	vor.u32 $0x6, v4;
	v12 =	vld.idx.msk [tilespmem:v12+s3+$0x0], $0xffff  }
0x3f: {  	v6 =	vmul.bf16 v0, v6;
	(erf) = vpow2.bf16 v9  }
0x40: {  	v18 =	vld.idx.msk [tilespmem:v18+s3+$0x0], $0xffff;
	v9 =	vor.u32 $0x4, v15;
	v23 =	vpop (erf)  }
0x41: {  	v14 =	vadd.bf16 v16, v14;
	(erf) = vpow2.bf16 v6;
	v6 =	vld.idx.msk [tilespmem:v22+s3+$0x0], $0xffff;
	v23 =	vadd.bf16 v1, v23  }
0x42: {  	v4 =	vor.u32 $0x5, v4;
	v13 =	vld.idx.msk [tilespmem:v13+s3+$0x0], $0xffff;
	v16 =	vadd.bf16 v20, v19  }
0x43: {  	v12 =	vadd.bf16 v12, v17;
	v17 =	vld.idx.msk [tilespmem:v21+s3+$0x0], $0xffff;
	v14 =	vmul.bf16 v0, v14;
	(erf) = vrcp.bf16 v23  }
0x44: {  	v3 =	vor.u32 $0x1, v3  }
0x45: {  	v7 =	vor.u32 $0x7, v7;
	v19 =	vld.idx.msk [tilespmem:v11+s3+$0x0], $0xffff;
	v16 =	vmul.bf16 v0, v16;
	(erf) = vpow2.bf16 v14  }
0x46: {  	v20 =	vor.u32 $0x6, v15;
	v9 =	vld.idx.msk [tilespmem:v9+s3+$0x0], $0xffff;
	v14 =	vor.u32 $0x2, v11  }
0x47: {  	v12 =	vmul.bf16 v0, v12;
	v6 =	vadd.bf16 v6, v18;
	(erf) = vpow2.bf16 v16  }
0x48: {  	v5 =	vor.u32 $0x3, v5;
	v4 =	vld.idx.msk [tilespmem:v4+s3+$0x0], $0xffff;
	v13 =	vadd.bf16 v17, v13  }
0x49: {  	v3 =	vld.idx.msk [tilespmem:v3+s3+$0x0], $0xffff;
	v6 =	vmul.bf16 v0, v6;
	(erf) = vpow2.bf16 v12  }
0x4a: {  	v7 =	vld.idx.msk [tilespmem:v7+s3+$0x0], $0xffff;
	v12 =	vmul.bf16 v0, v13  }
0x4b: {  	v9 =	vadd.bf16 v9, v19;
	v13 =	vld.idx.msk [tilespmem:v14+s3+$0x0], $0xffff;
	(erf) = vpow2.bf16 v6  }
0x4c: {  	v6 =	vld.idx.msk [tilespmem:v20+s3+$0x0], $0xffff  }
0x4d: {  	v5 =	vld.idx.msk [tilespmem:v5+s3+$0x0], $0xffff;
	v9 =	vmul.bf16 v0, v9;
	(erf) = vpow2.bf16 v12  }
0x4e: {  	v3 =	vadd.bf16 v4, v3;
	v12 =	vpop (erf)  }
0x4f: {  	v12 =	vadd.bf16 v1, v12;
	(erf) = vpow2.bf16 v9  }
0x50: {  	v3 =	vmul.bf16 v0, v3  }
0x51: {  	v4 =	vadd.bf16 v6, v13;
	(erf) = vrcp.bf16 v12  }
0x52: {  	v5 =	vadd.bf16 v7, v5;
	v9 =	vor.u32 $0x2, v10  }
0x53: {  	v6 =	vor.u32 $0x6, v8;
	v4 =	vmul.bf16 v0, v4;
	(erf) = vpow2.bf16 v3  }
0x54: {  	v5 =	vmul.bf16 v0, v5;
	v3 =	vpop (erf)  }
0x55: {  	v7 =	vpop (erf);
	(erf) = vpow2.bf16 v4  }
0x56: {  	v3 =	vadd.bf16 v1, v3;
	v17 =	vpop (erf);
	v4 =	vor.u32 $0x3, v11  }
0x57: {  	v12 =	vor.u32 $0x7, v15;
	v9 =	vld.idx.msk [tilespmem:v9+s3+$0x0], $0xffff;
	v11 =	vpop (erf);
	(erf) = vpow2.bf16 v5  }
0x58: {  	v6 =	vld.idx.msk [tilespmem:v6+s3+$0x0], $0xffff;
	v5 =	vpop (erf)  }
0x59: {  	s22 =	simm.s32 $0x138E0;
	v7 =	vadd.bf16 v1, v7;
	v15 =	vpop (erf);
	(erf) = vrcp.bf16 v3  }
0x5a: {  	v14 =	vld [tilespmem:s22+$0xFFFFFFE0];
	v10 =	vor.u32 $0x3, v10;
	v3 =	vpop (erf)  }
0x5b: {  	v16 =	vld.idx.msk [tilespmem:v4+s3+$0x0], $0xffff;
	v3 =	vadd.bf16 v1, v3;
	(erf) = vrcp.bf16 v7  }
0x5c: {  	v7 =	vor.u32 $0x7, v8;
	v8 =	vld.idx.msk [tilespmem:v12+s3+$0x0], $0xffff  }
0x5d: {  	v11 =	vadd.bf16 v1, v11;
	v6 =	vadd.bf16 v6, v9;
	v4 =	vld [tilespmem:$0x186A0];
	(erf) = vrcp.bf16 v3  }
0x5e: {  	v13 =	vld [tilespmem:s22+$0xFFFFFFF0]  }
0x5f: {  	v21 =	vld.idx.msk [tilespmem:v10+s3+$0x0], $0xffff;
	v20 =	vpop (erf);
	v6 =	vmul.bf16 v0, v6;
	(erf) = vrcp.bf16 v11  }
0x60: {  	v18 =	vpop (erf);
	v3 =	vld [tilespmem:$0x186B0]  }
0x61: {  	v19 =	vadd.bf16 v1, v5;
	v8 =	vadd.bf16 v8, v16;
	v16 =	vpop (erf);
	v22 =	vld.idx.msk [tilespmem:v7+s3+$0x0], $0xffff;
	(erf) = vpow2.bf16 v6  }
0x62: {  	v18 =	vadd.bf16 v1, v18;
	v23 =	vpop (erf);
	v16 =	vmul.bf16 v16, v4  }
0x63: {  	s23 =	simm.s32 $0x15FF0;
	v32 =	vld [tilespmem:s22+$0x0];
	v11 =	vshll.u32 v14, $0x3;
	v24 =	vmul.bf16 v0, v8;
	v26 =	vpop (erf);
	(erf) = vrcp.bf16 v19  }
0x64: {  	v30 =	vld [tilespmem:s23+$0xFFFFFFF0];
	v14 =	vshll.u32 v13, $0x3;
	v13 =	vor.u32 $0x1, v11;
	v25 =	vpop (erf);
	v19 =	vadd.bf16 v1, v15  }
0x65: {  	v5 =	vld [tilespmem:$0x186C0];
	v28 =	vadd.bf16 v2, v16;
	v15 =	vadd.bf16 v1, v25;
	v25 =	vpop (erf);
	(erf) = vpow2.bf16 v24  }
0x66: {  	v12 =	vor.u32 $0x2, v14;
	v16 =	vld [tilespmem:s23+$0x10];
	v29 =	vmul.bf16 v25, v3;
	v31 =	vadd.bf16 v22, v21  }
0x67: {  	v25 =	vadd.bf16 v1, v20;
	v20 =	vadd.bf16 v1, v26;
	v21 =	vld [tilespmem:s23+$0x0];
	(erf) = vrcp.bf16 v15  }
0x68: {  	v9 =	vor.u32 $0x3, v14;
	v10 =	vor.u32 $0x2, v11;
	v7 =	vld [tilespmem:$0x186E0];
	v8 =	vor.u32 $0x3, v11;
	v27 =	vpop (erf)  }
0x69: {  	s24 =	simm.s32 $0x40;
	v22 =	vadd.bf16 v29, v28;
	v28 =	vpop (erf);
	v31 =	vmul.bf16 v0, v31;
	v29 =	vld [tilespmem:s23+$0xFFFFFFE0];
	(erf) = vrcp.bf16 v20  }
0x6a: {  	s25 =	simm.s32 $0x13920;
	s20 =	simm.s32 $0x18710;
	s21 =	simm.s32 $0x18710;
	v6 =	vld [tilespmem:$0x186D0];
	v24 =	vadd.bf16 v1, v23;
	v15 =	vshll.u32 v32, $0x3;
	v23 =	vpop (erf);
	v20 =	vor.u32 $0x1, v14  }
.LBB2_2:
0x6b: {  	v32 =	vld [tilespmem:s25+$0xFFFFFFF0];
	s24 =	sadd.s32 $0x40, s24;
	v33 =	vor.u32 $0x2, v15;
	v26 =	vor.u32 $0x3, v15;
	s20 =	sadd.s32 $0x40, s20;
	v34 =	vpop (erf);
	(erf) = vpow2.bf16 v31  }
0x6c: {  	v16 =	vshll.u32 v16, $0x3;
	v31 =	vld [tilespmem:s25+$0xFFFFFFE0];
	p1 =	slt.u32 s24, $0x26C0;
	v35 =	vshll.u32 v21, $0x3;
	v21 =	vmul.bf16 v17, v4  }
0x6d: {  	v30 =	vshll.u32 v30, $0x3;
	v36 =	vor.u32 $0x4, v35;
	(erf) = vrcp.bf16 v18;
	v37 =	vpop (erf)  }
0x6e: {  	v17 =	vmul.bf16 v28, v5;
	v38 =	vld.idx.msk [tilespmem:v11+s3+$0x0], $0xffff;
	v18 =	vshll.u32 v29, $0x3;
	v11 =	vor.u32 $0x4, v30  }
0x6f: {  	v28 =	vor.u32 $0x4, v18;
	v29 =	vor.u32 $0x5, v18;
	v39 =	vld [tilespmem:s22+$0x10];
	v40 =	vpop (erf);
	(erf) = vrcp.bf16 v24;
	s22 =	smov.u32 s25  }
0x70: {  	v41 =	vor.u32 $0x5, v30;
	v24 =	vor.u32 $0x5, v35;
	v42 =	vld.idx.msk [tilespmem:v12+s3+$0x0], $0xffff;
	v12 =	vmul.bf16 v27, v4  }
0x71: {  	v43 =	vadd.bf16 v17, v22;
	v27 =	vor.u32 $0x5, v16;
	v14 =	vld.idx.msk [tilespmem:v14+s3+$0x0], $0xffff;
	(erf) = vrcp.bf16 v19;
	v19 =	vpop (erf)  }
0x72: {  	v45 =	vor.u32 $0x4, v16;
	v22 =	vor.u32 $0x7, v30;
	v44 =	vld.idx.msk [tilespmem:v15+s3+$0x0], $0xffff;
	v12 =	vadd.bf16 v2, v12  }
0x73: {  	v17 =	vor.u32 $0x6, v18;
	v46 =	vmul.bf16 v19, v6;
	v36 =	vld.idx.msk [tilespmem:v36+s3+$0x0], $0xffff;
	v47 =	vpop (erf);
	(erf) = vrcp.bf16 v25  }
0x74: {  	v37 =	vmul.bf16 v37, v3;
	v19 =	vor.u32 $0x6, v16;
	v13 =	vld.idx.msk [tilespmem:v13+s3+$0x0], $0xffff;
	v25 =	vshll.u32 v39, $0x3  }
0x75: {  	v30 =	vor.u32 $0x6, v30;
	v49 =	vadd.bf16 v2, v21;
	v39 =	vld.idx.msk [tilespmem:v11+s3+$0x0], $0xffff;
	v48 =	vor.u32 $0x1, v25;
	v50 =	vpop (erf)  }
0x76: {  	v16 =	vor.u32 $0x7, v16;
	v43 =	vadd.bf16 v46, v43;
	v37 =	vadd.bf16 v37, v12;
	v29 =	vld.idx.msk [tilespmem:v29+s3+$0x0], $0xffff  }
0x77: {  	v34 =	vadd.bf16 v1, v34;
	v11 =	vshll.u32 v31, $0x3;
	v31 =	vadd.bf16 v1, v40;
	v12 =	vld.idx.msk [tilespmem:v45+s3+$0x0], $0xffff;
	v40 =	vpop (erf)  }
0x78: {  	v21 =	vor.u32 $0x2, v25;
	v45 =	vshll.u32 v43, $0x10;
	v28 =	vld.idx.msk [tilespmem:v28+s3+$0x0], $0xffff;
	v40 =	vmul.bf16 v40, v4  }
0x79: {  	v23 =	vmul.bf16 v23, v6;
	v36 =	vadd.bf16 v36, v44;
	v44 =	vadd.bf16 v1, v50;
	v41 =	vld.idx.msk [tilespmem:v41+s3+$0x0], $0xffff;
	v46 =	vpop (erf)  }
0x7a: {  	v50 =	vor.u32 $0x6, v35;
	v48 =	vld.idx.msk [tilespmem:v48+s3+$0x0], $0xffff;
	v40 =	vadd.bf16 v2, v40;
	v46 =	vmul.bf16 v46, v3  }
0x7b: {  	v51 =	vadd.bf16 v39, v14;
	v36 =	vmul.bf16 v0, v36;
	v30 =	vld.idx.msk [tilespmem:v30+s3+$0x0], $0xffff;
	v39 =	vpop (erf);
	(erf) = vrcp.bf16 v34  }
0x7c: {  	v29 =	vadd.bf16 v29, v13;
	v27 =	vld.idx.msk [tilespmem:v27+s3+$0x0], $0xffff;
	v34 =	vmul.bf16 v39, v3;
	v39 =	vadd.bf16 v46, v49  }
0x7d: {  	v35 =	vor.u32 $0x7, v35;
	v46 =	vmul.bf16 v0, v51;
	v49 =	vld.idx.msk [tilespmem:v20+s3+$0x0], $0xffff;
	(erf) = vpow2.bf16 v36;
	v14 =	vpop (erf)  }
0x7e: {  	v13 =	vor.u32 $0x1, v11;
	v29 =	vmul.bf16 v0, v29;
	v36 =	vld.idx.msk [tilespmem:v25+s3+$0x0], $0xffff;
	v51 =	vmul.bf16 v14, v5  }
0x7f: {  	v34 =	vadd.bf16 v34, v40;
	v40 =	vadd.f32 v45, v7;
	v33 =	vld.idx.msk [tilespmem:v33+s3+$0x0], $0xffff;
	(erf) = vrcp.bf16 v44  }
0x80: {  	v20 =	vor.u32 $0x3, v25;
	v14 =	vshll.u32 v32, $0x3;
	v25 =	vmul.bf16 v47, v5;
	v32 =	vld.idx.msk [tilespmem:v50+s3+$0x0], $0xffff  }
0x81: {  	v28 =	vadd.bf16 v28, v38;
	v38 =	vadd.bf16 v51, v39;
	(erf) = vrcp.bf16 v31  }
0x82: {  	v25 =	vadd.bf16 v25, v34;
	v27 =	vadd.bf16 v27, v48;
	v31 =	vand.u32 $0xFFFF0000, v43  }
0x83: {  	v28 =	vmul.bf16 v0, v28;
	v34 =	vadd.bf16 v41, v49;
	(erf) = vpow2.bf16 v46  }
0x84: {  	v31 =	vadd.f32 v31, v40;
	v41 =	vadd.bf16 v12, v36;
	v27 =	vmul.bf16 v0, v27;
	v26 =	vld.idx.msk [tilespmem:v26+s3+$0x0], $0xffff  }
0x85: {  	v30 =	vadd.bf16 v30, v42;
	v12 =	vor.u32 $0x2, v14;
	v34 =	vmul.bf16 v0, v34;
	v35 =	vld.idx.msk [tilespmem:v35+s3+$0x0], $0xffff;
	v39 =	vpop (erf)  }
0x86: {  	v31 =	vmul.f32 $1.442695020e+00, v31;
	v32 =	vadd.bf16 v32, v33;
	v33 =	vmul.bf16 v0, v41  }
0x87: {  	v30 =	vmul.bf16 v0, v30;
	v23 =	vadd.bf16 v23, v38;
	v38 =	vmul.bf16 v39, v5;
	v36 =	vpop (erf)  }
0x88: {  	v39 =	vor.u32 $0x3, v14;
	v32 =	vmul.bf16 v0, v32;
	(erf) = vpow2.f32 v31  }
0x89: {  	v31 =	vshll.u32 v23, $0x10;
	(erf) = vpow2.bf16 v34;
	v34 =	vadd.bf16 v38, v37;
	v37 =	vpop (erf)  }
0x8a: {  	v15 =	vor.u32 $0x1, v15;
	v38 =	vor.u32 $0x2, v11;
	v31 =	vadd.f32 v31, v7  }
0x8b: {  	v36 =	vadd.bf16 v1, v36;
	v26 =	vadd.bf16 v35, v26;
	(erf) = vpow2.bf16 v33;
	v33 =	vpop (erf)  }
0x8c: {  	v23 =	vand.u32 $0xFFFF0000, v23;
	v35 =	vmul.bf16 v37, v6;
	v33 =	vmul.bf16 v33, v6  }
0x8d: {  	v23 =	vadd.f32 v23, v31;
	v26 =	vmul.bf16 v0, v26;
	v37 =	vpop (erf);
	(erf) = vrcp.bf16 v36  }
0x8e: {  	v31 =	vor.u32 $0x3, v11;
	v25 =	vadd.bf16 v33, v25;
	v33 =	vadd.bf16 v35, v34  }
0x8f: {  	v23 =	vmul.f32 $1.442695020e+00, v23;
	v24 =	vld.idx.msk [tilespmem:v24+s3+$0x0], $0xffff;
	(erf) = vpow2.bf16 v26  }
0x90: {  	v15 =	vld.idx.msk [tilespmem:v15+s3+$0x0], $0xffff;
	v26 =	vshll.u32 v25, $0x10;
	v34 =	vshll.u32 v33, $0x10  }
0x91: {  	v26 =	vadd.f32 v26, v7;
	v35 =	vpop (erf);
	(erf) = vpow2.f32 v23  }
0x92: {  	v23 =	vand.u32 $0xFFFF0000, v25;
	v25 =	vand.u32 $0xFFFF0000, v33;
	v33 =	vadd.f32 v34, v7  }
0x93: {  	v34 =	vpop (erf);
	(erf) = vpow2.bf16 v27;
	v23 =	vadd.f32 v23, v26  }
0x94: {  	v26 =	vadd.bf16 v1, v37;
	v25 =	vadd.f32 v25, v33  }
0x95: {  	v27 =	vld.idx.msk [tilespmem:v10+s3+$0x0], $0xffff;
	(erf) = vpow2.bf16 v29;
	v29 =	vpop (erf);
	v23 =	vmul.f32 $1.442695020e+00, v23;
	v10 =	vmov v38  }
0x96: {  	v15 =	vadd.bf16 v24, v15;
	v24 =	vmul.f32 $1.442695020e+00, v25;
	v33 =	vld.idx.msk [tilespmem:v9+s3+$0x0], $0xffff;
	v9 =	vmov v39  }
0x97: {  	v25 =	vld.idx.msk [tilespmem:v17+s3+$0x0], $0xffff;
	v17 =	vpop (erf);
	(erf) = vpow2.f32 v23  }
0x98: {  	v15 =	vmul.bf16 v0, v15;
	v22 =	vld.idx.msk [tilespmem:v22+s3+$0x0], $0xffff;
	(erf) = vpow2.f32 v24  }
0x99: {  	(erf) = vpow2.bf16 v30;
	v23 =	vpop (erf)  }
0x9a: {  	v24 =	vadd.bf16 v1, v34;
	v30 =	vpop (erf)  }
0x9b: {  	(erf) = vpow2.bf16 v32  }
0x9c: {  	v30 =	vadd.f32 $1.000000000e+00, v30  }
0x9d: {  	v25 =	vadd.bf16 v25, v27;
	(erf) = vpow2.bf16 v28;
	v27 =	vpop (erf);
	v28 =	vadd.f32 $1.000000000e+00, v35  }
0x9e: {  	v18 =	vor.u32 $0x7, v18;
	v22 =	vadd.bf16 v22, v33  }
0x9f: {  	v29 =	vadd.bf16 v1, v29;
	v25 =	vmul.bf16 v0, v25;
	v32 =	vpop (erf);
	(erf) = vrcp.bf16 v26  }
0xa0: {  	v22 =	vmul.bf16 v0, v22;
	v26 =	vpop (erf)  }
0xa1: {  	v26 =	vadd.f32 $1.000000000e+00, v26;
	(erf) = vrcp.f32 v28;
	v28 =	vpop (erf)  }
0xa2: {  	v33 =	vld.idx.msk [tilespmem:v8+s3+$0x0], $0xffff;
	v28 =	vadd.f32 $1.000000000e+00, v28;
	(erf) = vrcp.f32 v30;
	v8 =	vmov v31  }
0xa3: {  	v18 =	vld.idx.msk [tilespmem:v18+s3+$0x0], $0xffff;
	v30 =	vpop (erf);
	(erf) = vrcp.f32 v26  }
0xa4: {  	v26 =	vadd.bf16 v1, v30;
	(erf) = vrcp.f32 v28  }
0xa5: {  	v21 =	vld.idx.msk [tilespmem:v21+s3+$0x0], $0xffff;
	(erf) = vpow2.bf16 v15;
	v15 =	vpop (erf)  }
0xa6: {  	v19 =	vld.idx.msk [tilespmem:v19+s3+$0x0], $0xffff  }
0xa7: {  	v28 =	vpop (erf);
	(erf) = vpow2.bf16 v25  }
0xa8: {  	v23 =	vadd.bf16 v1, v23  }
0xa9: {  	v25 =	vadd.bf16 v18, v33;
	v18 =	vpop (erf);
	(erf) = vpow2.bf16 v22  }
0xaa: {  	v22 =	vmul.bf16 v18, v4;
	v30 =	vpop (erf)  }
0xab: {  	v18 =	vadd.bf16 v1, v28;
	v28 =	vmul.bf16 v0, v25;
	(erf) = vrcp.bf16 v24;
	[tilespmem:s21+$0xFFFFFFF0] =	vst v30;
	v24 =	vpop (erf)  }
0xac: {  	v27 =	vadd.bf16 v1, v27;
	v21 =	vadd.bf16 v19, v21;
	[tilespmem:s21+$0x0] =	vst v24;
	v24 =	vpop (erf)  }
0xad: {  	v19 =	vadd.bf16 v1, v32;
	v22 =	vadd.bf16 v2, v22;
	(erf) = vrcp.bf16 v29;
	[tilespmem:s21+$0xFFFFFFE0] =	vst v24;
	v24 =	vpop (erf)  }
0xae: {  	v21 =	vmul.bf16 v0, v21;
	[tilespmem:s21+$0x10] =	vst v24;
	s21 =	smov.u32 s20  }
0xaf: {  	(erf) = vrcp.bf16 v26;
	v24 =	vpop (erf);
	_ =	sdelay $0x1  }
0xb0: {  	v26 =	vpop (erf);
	(erf) = vrcp.bf16 v23  }
0xb1: {  	v25 =	vadd.bf16 v1, v15;
	v15 =	vld.idx.msk [tilespmem:v20+s3+$0x0], $0xffff  }
0xb2: {  	v20 =	vld.idx.msk [tilespmem:v16+s3+$0x0], $0xffff;
	v16 =	vpop (erf);
	(erf) = vpow2.bf16 v21  }
0xb3: {  	v24 =	vadd.bf16 v1, v24  }
0xb4: {  	v23 =	vadd.bf16 v1, v16;
	v16 =	vpop (erf);
	(erf) = vrcp.bf16 v27  }
0xb5: {  	v21 =	vmul.bf16 v16, v3  }
0xb6: {  	s23 =	sadd.s32 $0x40, s23;
	v26 =	vadd.bf16 v1, v26;
	v32 =	vld [tilespmem:s25+$0x0];
	(erf) = vpow2.bf16 v28;
	v27 =	vpop (erf)  }
.Ltmp0:
0xb7: {  	v16 =	vld [tilespmem:s23+$0x10];
	v22 =	vadd.bf16 v21, v22;
	(pc) =	sbr.rel @p1 .LBB2_2-.Ltmp0, $4  }
0xb8: {  	v15 =	vadd.bf16 v20, v15;
	v21 =	vld [tilespmem:s23+$0x0];
	v28 =	vpop (erf);
	(erf) = vrcp.bf16 v23  }
0xb9: {  	v30 =	vld [tilespmem:s23+$0xFFFFFFF0]  }
0xba: {  	v31 =	vmul.bf16 v0, v15;
	v29 =	vld [tilespmem:s23+$0xFFFFFFE0];
	(erf) = vrcp.bf16 v26;
	v23 =	vpop (erf)  }
0xbb: {  	s25 =	sadd.s32 $0x40, s25;
	v20 =	vor.u32 $0x1, v14;
	v15 =	vshll.u32 v32, $0x3  }
0xbc: {  	_ = 	snop  }
0xbd: {  	v21 =	vshll.u32 v21, $0x3  }
0xbe: {  	v26 =	vor.u32 $0x4, v21;
	_ =	sdelay $0x1  }
0xbf: {  	(erf) = vpow2.bf16 v31;
	_ =	sdelay $0x1  }
0xc0: {  	v52 =	vld.idx.msk [tilespmem:v15+s3+$0x0], $0xffff;
	(erf) = vrcp.bf16 v18  }
0xc1: {  	v32 =	vor.u32 $0x2, v15;
	v26 =	vld.idx.msk [tilespmem:v26+s3+$0x0], $0xffff  }
0xc2: {  	v33 =	vor.u32 $0x3, v15;
	v53 =	vmul.bf16 v17, v4;
	(erf) = vrcp.bf16 v24  }
0xc3: {  	v16 =	vshll.u32 v16, $0x3;
	v28 =	vmul.bf16 v28, v5;
	v27 =	vmul.bf16 v27, v4  }
0xc4: {  	v54 =	vpop (erf);
	v34 =	vld [tilespmem:s22+$0x10];
	v23 =	vmul.bf16 v23, v6;
	v18 =	vshll.u32 v30, $0x3;
	(erf) = vrcp.bf16 v19  }
0xc5: {  	v56 =	vadd.bf16 v1, v54;
	v55 =	vpop (erf);
	v17 =	vshll.u32 v29, $0x3;
	v30 =	vor.u32 $0x4, v18  }
0xc6: {  	v37 =	vor.u32 $0x5, v18;
	v38 =	vpop (erf);
	(erf) = vrcp.bf16 v25;
	v26 =	vadd.bf16 v26, v52  }
0xc7: {  	v14 =	vld.idx.msk [tilespmem:v14+s3+$0x0], $0xffff;
	v39 =	vor.u32 $0x4, v16;
	v22 =	vadd.bf16 v28, v22;
	v36 =	vor.u32 $0x5, v17;
	v57 =	vpop (erf)  }
0xc8: {  	v61 =	vld.idx.msk [tilespmem:v13+s3+$0x0], $0xffff;
	v59 =	vadd.bf16 v2, v27;
	v58 =	vpop (erf);
	(erf) = vrcp.bf16 v56;
	v26 =	vmul.bf16 v0, v26  }
0xc9: {  	v20 =	vld.idx.msk [tilespmem:v20+s3+$0x0], $0xffff;
	v41 =	vor.u32 $0x7, v21;
	v29 =	vor.u32 $0x5, v16;
	v13 =	vshll.u32 v34, $0x3;
	v62 =	vpop (erf)  }
0xca: {  	v60 =	vmul.bf16 v57, v6;
	v30 =	vld.idx.msk [tilespmem:v30+s3+$0x0], $0xffff;
	v34 =	vadd.bf16 v1, v62;
	(erf) = vpow2.bf16 v26  }
0xcb: {  	v35 =	vor.u32 $0x4, v17;
	v24 =	vadd.bf16 v2, v53;
	v19 =	vmul.bf16 v55, v3;
	v37 =	vld.idx.msk [tilespmem:v37+s3+$0x0], $0xffff  }
0xcc: {  	v38 =	vadd.bf16 v1, v38;
	v36 =	vld.idx.msk [tilespmem:v36+s3+$0x0], $0xffff;
	v22 =	vadd.bf16 v60, v22;
	(erf) = vrcp.bf16 v34  }
0xcd: {  	v40 =	vor.u32 $0x1, v13;
	v19 =	vadd.bf16 v19, v59;
	v28 =	vmul.bf16 v58, v5;
	v44 =	vpop (erf)  }
0xce: {  	v63 =	vld.idx.msk [tilespmem:v39+s3+$0x0], $0xffff;
	v46 =	vshll.u32 v22, $0x10;
	v22 =	vand.u32 $0xFFFF0000, v22;
	v47 =	vpop (erf);
	(erf) = vrcp.bf16 v38  }
0xcf: {  	v50 =	vld.idx.msk [tilespmem:v13+s3+$0x0], $0xffff;
	v62 =	vor.u32 $0x6, v21;
	v14 =	vadd.bf16 v30, v14;
	v48 =	vmul.bf16 v47, v3;
	v49 =	vpop (erf)  }
0xd0: {  	v53 =	vld.idx.msk [tilespmem:v41+s3+$0x0], $0xffff;
	v45 =	vmul.bf16 v44, v4;
	v20 =	vadd.bf16 v37, v20;
	v51 =	vpop (erf);
	v34 =	vadd.f32 v46, v7  }
0xd1: {  	v52 =	vld.idx.msk [tilespmem:v33+s3+$0x0], $0xffff;
	v31 =	vadd.bf16 v36, v61;
	v24 =	vadd.bf16 v48, v24;
	v36 =	vmul.bf16 v51, v5  }
0xd2: {  	v25 =	vadd.bf16 v2, v45;
	v14 =	vmul.bf16 v0, v14;
	v22 =	vadd.f32 v22, v34  }
0xd3: {  	v20 =	vmul.bf16 v0, v20;
	v30 =	vmul.bf16 v49, v3;
	v24 =	vadd.bf16 v36, v24  }
0xd4: {  	v54 =	vadd.bf16 v63, v50;
	(erf) = vpow2.bf16 v14;
	v22 =	vmul.f32 $1.442695020e+00, v22  }
0xd5: {  	v26 =	vor.u32 $0x6, v18;
	v25 =	vadd.bf16 v30, v25;
	v55 =	vpop (erf);
	v23 =	vadd.bf16 v23, v24  }
0xd6: {  	v59 =	vld.idx.msk [tilespmem:v29+s3+$0x0], $0xffff;
	v30 =	vadd.bf16 v53, v52;
	v56 =	vmul.bf16 v55, v5;
	(erf) = vpow2.f32 v22;
	v58 =	vpop (erf)  }
0xd7: {  	v57 =	vld.idx.msk [tilespmem:v40+s3+$0x0], $0xffff;
	v14 =	vmul.bf16 v0, v54;
	(erf) = vpow2.bf16 v20;
	v60 =	vshll.u32 v23, $0x10;
	v61 =	vpop (erf)  }
0xd8: {  	v25 =	vadd.bf16 v28, v25;
	v30 =	vmul.bf16 v0, v30;
	v20 =	vadd.f32 v60, v7;
	v63 =	vpop (erf)  }
0xd9: {  	v28 =	vadd.bf16 v1, v58;
	(erf) = vpow2.bf16 v14;
	v36 =	vmul.bf16 v63, v6  }
0xda: {  	v19 =	vadd.bf16 v56, v19;
	v23 =	vand.u32 $0xFFFF0000, v23;
	v24 =	vmul.bf16 v61, v6  }
0xdb: {  	v20 =	vadd.f32 v23, v20;
	(erf) = vrcp.bf16 v28;
	v14 =	vadd.bf16 v36, v25  }
0xdc: {  	v12 =	vld.idx.msk [tilespmem:v12+s3+$0x0], $0xffff;
	v38 =	vmul.bf16 v0, v31;
	v22 =	vadd.bf16 v59, v57;
	v19 =	vadd.bf16 v24, v19  }
0xdd: {  	v37 =	vld.idx.msk [tilespmem:v26+s3+$0x0], $0xffff;
	v20 =	vmul.f32 $1.442695020e+00, v20;
	(erf) = vpow2.bf16 v30;
	v40 =	vshll.u32 v14, $0x10  }
0xde: {  	v39 =	vld.idx.msk [tilespmem:v32+s3+$0x0], $0xffff;
	v22 =	vmul.bf16 v0, v22;
	v42 =	vshll.u32 v19, $0x10;
	v26 =	vadd.f32 v40, v7  }
0xdf: {  	v41 =	vld.idx.msk [tilespmem:v62+s3+$0x0], $0xffff;
	(erf) = vpow2.f32 v20;
	v43 =	vadd.f32 v42, v7;
	v14 =	vand.u32 $0xFFFF0000, v14  }
0xe0: {  	v11 =	vld.idx.msk [tilespmem:v11+s3+$0x0], $0xffff;
	v19 =	vand.u32 $0xFFFF0000, v19;
	(erf) = vpow2.bf16 v22;
	v14 =	vadd.f32 v14, v26  }
0xe1: {  	v44 =	vld.idx.msk [tilespmem:v35+s3+$0x0], $0xffff;
	v19 =	vadd.f32 v19, v43  }
0xe2: {  	v12 =	vadd.bf16 v37, v12;
	(erf) = vpow2.bf16 v38;
	v14 =	vmul.f32 $1.442695020e+00, v14  }
0xe3: {  	v45 =	vor.u32 $0x5, v21;
	v47 =	vor.u32 $0x1, v15;
	v19 =	vmul.f32 $1.442695020e+00, v19  }
0xe4: {  	v46 =	vadd.bf16 v41, v39;
	v12 =	vmul.bf16 v0, v12;
	v48 =	vpop (erf);
	(erf) = vpow2.f32 v14  }
0xe5: {  	v49 =	vor.u32 $0x6, v17;
	v50 =	vpop (erf);
	(erf) = vpow2.f32 v19  }
0xe6: {  	v11 =	vadd.bf16 v44, v11;
	v51 =	vmul.bf16 v0, v46;
	v52 =	vpop (erf);
	(erf) = vpow2.bf16 v12  }
0xe7: {  	v10 =	vld.idx.msk [tilespmem:v10+s3+$0x0], $0xffff;
	v18 =	vor.u32 $0x7, v18;
	v53 =	vpop (erf)  }
0xe8: {  	v11 =	vmul.bf16 v0, v11;
	v15 =	vld.idx.msk [tilespmem:v47+s3+$0x0], $0xffff;
	v22 =	vpop (erf);
	(erf) = vpow2.bf16 v51  }
0xe9: {  	v20 =	vld.idx.msk [tilespmem:v45+s3+$0x0], $0xffff;
	v54 =	vpop (erf)  }
0xea: {  	v9 =	vld.idx.msk [tilespmem:v9+s3+$0x0], $0xffff;
	v23 =	vadd.bf16 v1, v48;
	v55 =	vpop (erf);
	(erf) = vpow2.bf16 v11  }
0xeb: {  	v56 =	vld.idx.msk [tilespmem:v49+s3+$0x0], $0xffff;
	v57 =	vpop (erf)  }
0xec: {  	v18 =	vld.idx.msk [tilespmem:v18+s3+$0x0], $0xffff;
	v24 =	vadd.f32 $1.000000000e+00, v50;
	v58 =	vpop (erf);
	(erf) = vrcp.bf16 v23  }
0xed: {  	v59 =	vadd.f32 $1.000000000e+00, v55;
	v60 =	vpop (erf)  }
0xee: {  	v15 =	vadd.bf16 v20, v15;
	v61 =	vadd.f32 $1.000000000e+00, v60;
	(erf) = vrcp.f32 v24;
	v62 =	vpop (erf)  }
0xef: {  	v24 =	vadd.f32 $1.000000000e+00, v62;
	(erf) = vrcp.f32 v59  }
0xf0: {  	v10 =	vadd.bf16 v56, v10;
	v15 =	vmul.bf16 v0, v15;
	(erf) = vrcp.f32 v61  }
0xf1: {  	v9 =	vadd.bf16 v18, v9;
	v63 =	vor.u32 $0x6, v16;
	(erf) = vrcp.f32 v24  }
0xf2: {  	v10 =	vmul.bf16 v0, v10;
	v25 =	vor.u32 $0x2, v13;
	(erf) = vpow2.bf16 v15;
	_ =	sdelay $0x1  }
0xf3: {  	v9 =	vmul.bf16 v0, v9;
	(erf) = vpow2.bf16 v10;
	_ =	sdelay $0x1  }
0xf4: {  	v28 =	vor.u32 $0x7, v17;
	v27 =	vadd.bf16 v1, v52;
	v30 =	vld.idx.msk [tilespmem:v63+s3+$0x0], $0xffff;
	(erf) = vpow2.bf16 v9  }
0xf5: {  	v29 =	vld.idx.msk [tilespmem:v25+s3+$0x0], $0xffff  }
0xf6: {  	v31 =	vadd.bf16 v1, v53;
	v32 =	vpop (erf);
	(erf) = vrcp.bf16 v27  }
0xf7: {  	v10 =	vadd.bf16 v1, v32  }
0xf8: {  	v8 =	vld.idx.msk [tilespmem:v8+s3+$0x0], $0xffff;
	v33 =	vpop (erf);
	(erf) = vrcp.bf16 v31  }
0xf9: {  	v16 =	vor.u32 $0x7, v16;
	v13 =	vor.u32 $0x3, v13;
	v15 =	vld.idx.msk [tilespmem:v28+s3+$0x0], $0xffff;
	v34 =	vpop (erf)  }
0xfa: {  	v35 =	vadd.bf16 v1, v54;
	v36 =	vpop (erf);
	v9 =	vadd.bf16 v30, v29;
	(erf) = vrcp.bf16 v10  }
0xfb: {  	v10 =	vpop (erf)  }
0xfc: {  	v9 =	vmul.bf16 v0, v9;
	v17 =	vpop (erf);
	(erf) = vrcp.bf16 v35  }
0xfd: {  	v18 =	vpop (erf)  }
0xfe: {  	v16 =	vld.idx.msk [tilespmem:v16+s3+$0x0], $0xffff;
	v14 =	vadd.bf16 v1, v57;
	v8 =	vadd.bf16 v15, v8;
	v15 =	vpop (erf);
	(erf) = vpow2.bf16 v9  }
0xff: {  	v13 =	vld.idx.msk [tilespmem:v13+s3+$0x0], $0xffff;
	v37 =	vpop (erf)  }
0x100: {  	v8 =	vmul.bf16 v0, v8;
	v38 =	vpop (erf);
	(erf) = vrcp.bf16 v14  }
0x101: {  	v39 =	vpop (erf)  }
0x102: {  	v14 =	vadd.bf16 v1, v39;
	(erf) = vpow2.bf16 v8;
	_ =	sdelay $0x1  }
0x103: {  	v13 =	vadd.bf16 v16, v13;
	v40 =	vadd.bf16 v1, v38;
	(erf) = vrcp.bf16 v14;
	_ =	sdelay $0x1  }
0x104: {  	v13 =	vmul.bf16 v0, v13;
	(erf) = vrcp.bf16 v40;
	_ =	sdelay $0x1  }
0x105: {  	(erf) = vpow2.bf16 v13  }
0x106: {  	v11 =	vadd.bf16 v1, v34;
	v41 =	vpop (erf)  }
0x107: {  	v42 =	vpop (erf)  }
0x108: {  	v9 =	vadd.bf16 v1, v37;
	v43 =	vpop (erf);
	(erf) = vrcp.bf16 v11  }
0x109: {  	v44 =	vpop (erf)  }
0x10a: {  	v45 =	vadd.bf16 v1, v58;
	v46 =	vpop (erf);
	(erf) = vrcp.bf16 v9  }
0x10b: {  	v47 =	vpop (erf)  }
0x10c: {  	v12 =	vadd.bf16 v1, v33;
	v48 =	vpop (erf);
	(erf) = vrcp.bf16 v45  }
0x10d: {  	v49 =	vpop (erf)  }
0x10e: {  	v51 =	vadd.bf16 v1, v46;
	v50 =	vpop (erf);
	(erf) = vrcp.bf16 v12  }
0x10f: {  	v52 =	vpop (erf)  }
0x110: {  	(erf) = vrcp.bf16 v51;
	v20 =	vadd.bf16 v1, v52;
	_ =	sdelay $0x1  }
0x111: {  	v53 =	vadd.bf16 v1, v48;
	(erf) = vrcp.bf16 v20  }
0x112: {  	v19 =	vmul.bf16 v36, v4  }
0x113: {  	(erf) = vrcp.bf16 v53  }
0x114: {  	v54 =	vadd.bf16 v2, v19;
	v8 =	vmul.bf16 v41, v3;
	_ =	sdelay $0x1  }
0x115: {  	v56 =	vmul.bf16 v22, v4;
	v8 =	vadd.bf16 v8, v54;
	v55 =	vmul.bf16 v43, v5  }
0x116: {  	v13 =	vmul.bf16 v42, v4;
	v57 =	vpop (erf)  }
0x117: {  	v14 =	vadd.bf16 v2, v56;
	v8 =	vadd.bf16 v55, v8;
	v59 =	vmul.bf16 v57, v4;
	v60 =	vpop (erf)  }
0x118: {  	v58 =	vadd.bf16 v2, v13;
	v11 =	vmul.bf16 v44, v6;
	v19 =	vmul.bf16 v60, v3;
	v61 =	vpop (erf)  }
0x119: {  	v16 =	vmul.bf16 v49, v6;
	v13 =	vadd.bf16 v2, v59;
	v20 =	vmul.bf16 v61, v3;
	v62 =	vpop (erf)  }
0x11a: {  	v9 =	vmul.bf16 v47, v3;
	v14 =	vadd.bf16 v19, v14;
	v63 =	vmul.bf16 v62, v5;
	v24 =	vpop (erf)  }
0x11b: {  	v8 =	vadd.bf16 v16, v8;
	v26 =	vmul.bf16 v50, v5;
	v25 =	vadd.bf16 v20, v13;
	v27 =	vpop (erf)  }
0x11c: {  	v9 =	vadd.bf16 v9, v58;
	v14 =	vadd.bf16 v63, v14;
	v28 =	vmul.bf16 v24, v5;
	v29 =	vpop (erf)  }
0x11d: {  	v30 =	vshll.u32 v8, $0x10;
	v12 =	vadd.bf16 v26, v25;
	v31 =	vmul.bf16 v29, v6  }
0x11e: {  	v11 =	vadd.bf16 v11, v14;
	v9 =	vadd.bf16 v28, v9;
	v32 =	vmul.bf16 v27, v6  }
0x11f: {  	v33 =	vadd.f32 v30, v7;
	v12 =	vadd.bf16 v31, v12  }
0x120: {  	v8 =	vand.u32 $0xFFFF0000, v8;
	v34 =	vshll.u32 v11, $0x10;
	v9 =	vadd.bf16 v32, v9  }
0x121: {  	v8 =	vadd.f32 v8, v33;
	v13 =	vadd.f32 v34, v7;
	v35 =	vshll.u32 v12, $0x10  }
0x122: {  	v11 =	vand.u32 $0xFFFF0000, v11;
	v36 =	vshll.u32 v9, $0x10;
	v14 =	vadd.f32 v35, v7  }
0x123: {  	v11 =	vadd.f32 v11, v13;
	v37 =	vadd.f32 v36, v7;
	v12 =	vand.u32 $0xFFFF0000, v12  }
0x124: {  	v8 =	vmul.f32 $1.442695020e+00, v8;
	v9 =	vand.u32 $0xFFFF0000, v9;
	v12 =	vadd.f32 v12, v14  }
0x125: {  	v11 =	vmul.f32 $1.442695020e+00, v11;
	v9 =	vadd.f32 v9, v37  }
0x126: {  	(erf) = vpow2.f32 v8;
	v38 =	vmul.f32 $1.442695020e+00, v12  }
0x127: {  	(erf) = vpow2.f32 v11;
	v9 =	vmul.f32 $1.442695020e+00, v9  }
0x128: {  	(erf) = vpow2.f32 v38  }
0x129: {  	(erf) = vpow2.f32 v9;
	_ =	sdelay $0x5  }
0x12a: {  	v39 =	vpop (erf)  }
0x12b: {  	v8 =	vadd.f32 $1.000000000e+00, v39;
	v40 =	vpop (erf)  }
0x12c: {  	v9 =	vadd.f32 $1.000000000e+00, v40;
	v41 =	vpop (erf)  }
0x12d: {  	(erf) = vrcp.f32 v8;
	v11 =	vadd.f32 $1.000000000e+00, v41;
	v42 =	vpop (erf)  }
0x12e: {  	(erf) = vrcp.f32 v9;
	v8 =	vadd.f32 $1.000000000e+00, v42  }
0x12f: {  	(erf) = vrcp.f32 v11  }
0x130: {  	(erf) = vrcp.f32 v8;
	_ =	sdelay $0x2  }
0x131: {  	[tilespmem:s21+$0xFFFFFFF0] =	vst v10  }
0x132: {  	[tilespmem:s21+$0x0] =	vst v17  }
0x133: {  	[tilespmem:s21+$0xFFFFFFE0] =	vst v18  }
0x134: {  	s20 =	sadd.s32 $0x40, s20;
	[tilespmem:s21+$0x10] =	vst v15;
	v43 =	vpop (erf)  }
0x135: {  	[tilespmem:s20+$0xFFFFFFF0] =	vst v43;
	v44 =	vpop (erf)  }
0x136: {  	[tilespmem:s20+$0x0] =	vst v44;
	v45 =	vpop (erf)  }
0x137: {  	[tilespmem:s20+$0xFFFFFFE0] =	vst v45;
	v46 =	vpop (erf)  }
0x138: {  	[tilespmem:s20+$0x10] =	vst v46  }
0x139: {  	v8 =	vld [tilespmem:$0x15F80]  }
0x13a: {  	v47 =	vld [tilespmem:$0x18690];
	_ =	sdelay $0x4  }
0x13b: {  	v8 =	vshll.u32 v8, $0x3;
	v9 =	vshll.u32 v47, $0x3  }
0x13c: {  	v48 =	vor.u32 $0x4, v9;
	_ =	sdelay $0x3  }
0x13d: {  	v49 =	vld.idx.msk [tilespmem:v8+s3+$0x0], $0xffff  }
0x13e: {  	v10 =	vld.idx.msk [tilespmem:v48+s3+$0x0], $0xffff;
	_ =	sdelay $0x4  }
0x13f: {  	v10 =	vadd.bf16 v10, v49;
	_ =	sdelay $0x1  }
0x140: {  	v10 =	vmul.bf16 v0, v10;
	_ =	sdelay $0x1  }
0x141: {  	v51 =	vor.u32 $0x5, v9;
	(erf) = vpow2.bf16 v10  }
0x142: {  	v50 =	vor.u32 $0x1, v8;
	_ =	sdelay $0x3  }
0x143: {  	v11 =	vld.idx.msk [tilespmem:v51+s3+$0x0], $0xffff  }
0x144: {  	v10 =	vld.idx.msk [tilespmem:v50+s3+$0x0], $0xffff;
	_ =	sdelay $0x3  }
0x145: {  	v52 =	vpop (erf)  }
0x146: {  	v10 =	vadd.bf16 v11, v10;
	v12 =	vadd.bf16 v1, v52;
	_ =	sdelay $0x1  }
0x147: {  	v10 =	vmul.bf16 v0, v10;
	(erf) = vrcp.bf16 v12;
	_ =	sdelay $0x1  }
0x148: {  	v54 =	vor.u32 $0x6, v9;
	(erf) = vpow2.bf16 v10  }
0x149: {  	v53 =	vor.u32 $0x2, v8;
	_ =	sdelay $0x3  }
0x14a: {  	v11 =	vld.idx.msk [tilespmem:v54+s3+$0x0], $0xffff  }
0x14b: {  	v10 =	vld.idx.msk [tilespmem:v53+s3+$0x0], $0xffff;
	_ =	sdelay $0x2  }
0x14c: {  	v12 =	vpop (erf)  }
0x14d: {  	v55 =	vpop (erf)  }
0x14e: {  	v10 =	vadd.bf16 v11, v10;
	v13 =	vadd.bf16 v1, v55;
	_ =	sdelay $0x1  }
0x14f: {  	v10 =	vmul.bf16 v0, v10;
	(erf) = vrcp.bf16 v13;
	_ =	sdelay $0x1  }
0x150: {  	v9 =	vor.u32 $0x7, v9;
	(erf) = vpow2.bf16 v10  }
0x151: {  	v8 =	vor.u32 $0x3, v8;
	_ =	sdelay $0x3  }
0x152: {  	v9 =	vld.idx.msk [tilespmem:v9+s3+$0x0], $0xffff  }
0x153: {  	v8 =	vld.idx.msk [tilespmem:v8+s3+$0x0], $0xffff;
	_ =	sdelay $0x2  }
0x154: {  	v56 =	vpop (erf)  }
0x155: {  	v57 =	vpop (erf)  }
0x156: {  	v8 =	vadd.bf16 v9, v8;
	v11 =	vadd.bf16 v1, v57;
	_ =	sdelay $0x1  }
0x157: {  	v8 =	vmul.bf16 v0, v8;
	(erf) = vrcp.bf16 v11;
	_ =	sdelay $0x1  }
0x158: {  	(erf) = vpow2.bf16 v8;
	_ =	sdelay $0x8  }
0x159: {  	v58 =	vpop (erf)  }
0x15a: {  	v59 =	vpop (erf)  }
0x15b: {  	v9 =	vadd.bf16 v1, v59;
	_ =	sdelay $0x1  }
0x15c: {  	(erf) = vrcp.bf16 v9;
	_ =	sdelay $0x4  }
0x15d: {  	v60 =	vmul.bf16 v12, v4;
	_ =	sdelay $0x1  }
0x15e: {  	v4 =	vadd.bf16 v2, v60;
	v3 =	vmul.bf16 v56, v3;
	_ =	sdelay $0x1  }
0x15f: {  	v3 =	vadd.bf16 v3, v4;
	v61 =	vmul.bf16 v58, v5  }
0x160: {  	v62 =	vpop (erf)  }
0x161: {  	v3 =	vadd.bf16 v61, v3;
	v63 =	vmul.bf16 v62, v6;
	_ =	sdelay $0x1  }
0x162: {  	v3 =	vadd.bf16 v63, v3;
	_ =	sdelay $0x1  }
0x163: {  	v4 =	vshll.u32 v3, $0x10  }
0x164: {  	v4 =	vadd.f32 v4, v7  }
0x165: {  	v3 =	vand.u32 $0xFFFF0000, v3  }
0x166: {  	v3 =	vadd.f32 v3, v4;
	_ =	sdelay $0x1  }
0x167: {  	v3 =	vmul.f32 $1.442695020e+00, v3;
	_ =	sdelay $0x1  }
0x168: {  	(erf) = vpow2.f32 v3;
	_ =	sdelay $0x8  }
0x169: {  	v3 =	vpop (erf)  }
0x16a: {  	v3 =	vadd.f32 $1.000000000e+00, v3;
	_ =	sdelay $0x1  }
0x16b: {  	(erf) = vrcp.f32 v3;
	_ =	sdelay $0x7  }
0x16c: {  	s19 =	sadd.s32 $0x1, s19  }
0x16d: {  	p1 =	sne.s32 s19, s8;
	v3 =	vpop (erf)  }
.Ltmp1:
0x16e: {  	[tilespmem:$0x1ADF0] =	vst v3;
	(pc) =	sbr.rel @p1 .LBB2_1-.Ltmp1, $4  }
0x16f: {  	[hbm4b:s7+s3] =	stream.linear.scatter [tilespmem:s17], [sflag:$0x5], $0x2710, $0x38;
	[tilespmem:$0x1C188] =	vst v63  }
0x170: {  	_ =	swait.ge [sflag:s18], $0x2710  }
0x171: {  	[sflag:s18] =	ssyncset.done $0x0  }
0x172: {  	[sflag:s18] =	ssyncadd.s32 $0xFFFFD8F0  }
0x173: {  	_ =	sfence.sel $0x180000  }
0x174: {  	[bflag:$0x0] =	sbarrier.arrive $0xFFFF  }
0x175: {  	_ =	strace $0x90000047  }
0x176: {  	s0 =	sadd.s32 @!p0 $0x100000, s1;
	[bflag:$0x2] =	sbarrier.arrive $0xFFFF  }
0x177: {  	[sflag:s0] =	ssyncadd.tile.s32 @!p0 $0x1;
	_ =	shalt  }
.Lfunc_end2:
_tile_overlayer_lowered:
.L_overlay_start_2:
0x178: {  	(tag) =	ssettag $0x2  }
0x179: {  	s0 =	rddreg [dreg:$0x0];
	s2 =	stileid.u32  }
0x17a: {  	s1 =	rddreg [dreg:$0x1];
	p0 =	sne.s32 s2, $0x0  }
0x17b: {  	s3 =	rddreg [dreg:$0x2];
	[bflag:$0x3] =	sbarrier.arrive $0xFFFF;
	s2 =	simm.s32 @!p0 $0x1C05  }
0x17c: {  	[timem:s3], [sflag:s2] =	dma.local @!p0 [hbm:s0], s1  }
0x17d: {  	s0 =	simm.s32 @!p0 $0x5  }
0x17e: {  	_ =	swait.ge @!p0 [sflag:s0], s1  }
0x17f: {  	s1 =	ssub.s32 @!p0 $0x0, s1;
	[sflag:s0] =	ssyncset.done @!p0 $0x0  }
0x180: {  	[sflag:s0] =	ssyncadd.s32 @!p0 s1  }
0x181: {  	[bflag:$0x3] =	sbarrier.arrive $0xFFFF  }
0x182: {  	_ =	shalt  }

</sc_bundles>
